<compile_context>
chip_gen: v7x
topology: tpu7x:2x2x1
jax: 0.10.2.dev20260603
libtpu: 0.0.44.dev20260713+nightly
codegen_flags: <defaults>
</compile_context>

<pallas_src>
import functools

import jax
import jax.numpy as jnp
from jax import lax
from jax.experimental import pallas as pl
from jax.experimental.pallas import tpu as pltpu
from jax.experimental.pallas import tpu_sc as plsc

DIM = 768
E = 16
K = 8
HD = 96
B = 4
N = 2048
T = B * N
BT = 512
BQ = 1024
NBT = T // BT
NQ = N // BQ
EH = E * HD
VW = 128
EHP = E * VW


def _route_proj_kernel(x_ref, wg_ref, wq_ref, kvw_ref, kvb_ref,
                       y_ref, k_ref, v_ref, ws_ref, sq_ref,
                       fr_ref, ps_ref, zs_ref):
    x = x_ref[...]
    kv = jnp.dot(x, kvw_ref[...], preferred_element_type=jnp.float32)
    kv = kv + kvb_ref[...]
    lane = jax.lax.broadcasted_iota(jnp.int32, (BT, VW - HD), 1)
    ones_pad = jnp.where(lane == 0, 1.0, 0.0)
    zeros_pad = jnp.zeros((BT, VW - HD), jnp.float32)
    k_ref[...] = jnp.concatenate([kv[:, :HD] * (HD ** -0.5), zeros_pad],
                                 axis=-1)
    v_ref[...] = jnp.concatenate([kv[:, HD:], ones_pad], axis=-1)
    logits = jnp.dot(x, wg_ref[...], preferred_element_type=jnp.float32)
    m = jnp.max(logits, axis=-1, keepdims=True)
    ex = jnp.exp(logits - m)
    se = jnp.sum(ex, axis=-1, keepdims=True)
    p = ex / se
    lse = m + jnp.log(se)
    zs_ref[...] = jnp.broadcast_to(jnp.sum(lse * lse), (1, 1, 8))
    eidx = jax.lax.broadcasted_iota(jnp.int32, (BT, E), 1)
    rank = jnp.zeros((BT, E), jnp.int32)
    for j in range(E):
        pj = p[:, j:j + 1]
        rank = rank + jnp.where((pj > p) | ((pj == p) & (j < eidx)), 1, 0)
    sel = rank < K
    self32 = sel.astype(jnp.float32)
    gm = self32 * p
    g = gm / (jnp.sum(gm, axis=-1, keepdims=True) + 1e-6)
    slot = jnp.zeros((BT, E), jnp.int32)
    for j in range(E):
        sj = jnp.where(sel[:, j:j + 1], 1, 0)
        slot = slot + jnp.where(eidx > j, sj, 0)
    y_ref[...] = jnp.dot(x, wq_ref[...], preferred_element_type=jnp.float32)
    eidxf = eidx.astype(jnp.float32)
    i = pl.program_id(0)
    tgi = jax.lax.broadcasted_iota(jnp.int32, (BT, 1), 0) + i * BT
    tglob = tgi.astype(jnp.float32)
    cols = []
    for kk in range(K):
        sk = self32 * (slot == kk).astype(jnp.float32)
        ws_ref[kk] = sk * g
        etk = jnp.sum(sk * eidxf, axis=-1, keepdims=True)
        cols.append(tglob * E + etk)
    sq = jnp.concatenate(cols, axis=-1).astype(jnp.int32)
    sq_ref[...] = jnp.transpose(sq, (1, 0))
    fr_ref[0] = jnp.sum(self32, axis=0, keepdims=True)
    ps_ref[0] = jnp.sum(p, axis=0, keepdims=True)


def _attn_moe_kernel(q_ref, k_ref, v_ref, o_ref):
    s = jax.lax.dot_general(q_ref[0], k_ref[0], (((1,), (1,)), ((), ())),
                            preferred_element_type=jnp.float32)
    e = jnp.exp(s)
    oa = jnp.dot(e, v_ref[0], preferred_element_type=jnp.float32)
    ow = oa[:, :HD] / oa[:, HD:HD + 1]
    o_ref[0] = jnp.concatenate(
        [ow, jnp.zeros((BQ, VW - HD), jnp.float32)], axis=-1)


def _reduce_kernel(o_ref, ws_ref, sel_ref, tile_ref, wo_ref, out_ref):
    selmat = sel_ref[...]
    tilem = tile_ref[...]
    z = jnp.zeros((BT, EH), jnp.float32)
    for kk in range(K):
        wide = jnp.dot(ws_ref[kk], selmat, preferred_element_type=jnp.float32)
        rep = jnp.dot(o_ref[kk][:, :HD], tilem,
                      preferred_element_type=jnp.float32)
        z = z + wide * rep
    out_ref[...] = jnp.dot(z, wo_ref[...], preferred_element_type=jnp.float32)


_NW = 32
_CH = 128


def _make_sc_gather(rows):
    rpw = rows // _NW
    nch = rpw // _CH

    @functools.partial(
        pl.kernel,
        mesh=plsc.VectorSubcoreMesh(core_axis_name="c", subcore_axis_name="s"),
        out_type=jax.ShapeDtypeStruct((rows, VW), jnp.float32),
        scratch_types=[
            pltpu.VMEM((_CH,), jnp.int32),
            pltpu.VMEM((_CH, VW), jnp.float32),
            pltpu.SemaphoreType.DMA,
        ],
    )
    def _sc_gather(table_hbm, idx_hbm, out_hbm, idx_v, rows_v, sem):
        wid = lax.axis_index("s") * 2 + lax.axis_index("c")
        base = wid * rpw

        def body(j, carry):
            off = base + j * _CH
            pltpu.sync_copy(idx_hbm.at[pl.ds(off, _CH)], idx_v)
            pltpu.async_copy(table_hbm.at[idx_v], rows_v, sem).wait()
            pltpu.sync_copy(rows_v, out_hbm.at[pl.ds(off, _CH)])
            return carry

        lax.fori_loop(0, nch, body, 0)

    return _sc_gather


_QROWS = K * T
_sc_gather_q = _make_sc_gather(_QROWS)


def kernel(x, w_gate, Wq, kv_w, kv_b, W_out, task_bh):
    xf = x.reshape(T, DIM)
    wg = w_gate[task_bh]
    wq_flat = jnp.pad(jnp.transpose(Wq, (1, 0, 2)),
                      ((0, 0), (0, 0), (0, VW - HD))).reshape(DIM, EHP)
    wo_flat = W_out.reshape(EH, DIM)
    kvb2 = kv_b.reshape(1, 2 * HD)
    eye_e = jnp.eye(E, dtype=jnp.float32)
    selmat = jnp.repeat(eye_e, HD, axis=1).reshape(E, EH)
    tilem = jnp.tile(jnp.eye(HD, dtype=jnp.float32), (1, E))

    y, k_, v_, ws, srcq, fr, ps, zs = pl.pallas_call(
        _route_proj_kernel,
        grid=(NBT,),
        in_specs=[
            pl.BlockSpec((BT, DIM), lambda i: (i, 0)),
            pl.BlockSpec((DIM, E), lambda i: (0, 0)),
            pl.BlockSpec((DIM, EHP), lambda i: (0, 0)),
            pl.BlockSpec((DIM, 2 * HD), lambda i: (0, 0)),
            pl.BlockSpec((1, 2 * HD), lambda i: (0, 0)),
        ],
        out_specs=[
            pl.BlockSpec((BT, EHP), lambda i: (i, 0)),
            pl.BlockSpec((BT, VW), lambda i: (i, 0)),
            pl.BlockSpec((BT, VW), lambda i: (i, 0)),
            pl.BlockSpec((K, BT, E), lambda i: (0, i, 0)),
            pl.BlockSpec((K, BT), lambda i: (0, i)),
            pl.BlockSpec((1, 1, E), lambda i: (i, 0, 0)),
            pl.BlockSpec((1, 1, E), lambda i: (i, 0, 0)),
            pl.BlockSpec((1, 1, 8), lambda i: (i, 0, 0)),
        ],
        out_shape=[
            jax.ShapeDtypeStruct((T, EHP), jnp.float32),
            jax.ShapeDtypeStruct((T, VW), jnp.float32),
            jax.ShapeDtypeStruct((T, VW), jnp.float32),
            jax.ShapeDtypeStruct((K, T, E), jnp.float32),
            jax.ShapeDtypeStruct((K, T), jnp.int32),
            jax.ShapeDtypeStruct((NBT, 1, E), jnp.float32),
            jax.ShapeDtypeStruct((NBT, 1, E), jnp.float32),
            jax.ShapeDtypeStruct((NBT, 1, 8), jnp.float32),
        ],
    )(xf, wg, wq_flat, kv_w, kvb2)

    q = _sc_gather_q(y.reshape(T * E, VW), srcq.reshape(_QROWS))
    q = q.reshape(K, T, VW)

    o = pl.pallas_call(
        _attn_moe_kernel,
        grid=(B, NQ, K),
        in_specs=[
            pl.BlockSpec((1, BQ, VW), lambda b, i, h: (h, b * NQ + i, 0)),
            pl.BlockSpec((1, N, VW), lambda b, i, h: (0, b, 0)),
            pl.BlockSpec((1, N, VW), lambda b, i, h: (0, b, 0)),
        ],
        out_specs=pl.BlockSpec((1, BQ, VW), lambda b, i, h: (h, b * NQ + i, 0)),
        out_shape=jax.ShapeDtypeStruct((K, T, VW), jnp.float32),
    )(q, k_.reshape(1, T, VW), v_.reshape(1, T, VW))

    out2d = pl.pallas_call(
        _reduce_kernel,
        grid=(NBT,),
        in_specs=[
            pl.BlockSpec((K, BT, VW), lambda i: (0, i, 0)),
            pl.BlockSpec((K, BT, E), lambda i: (0, i, 0)),
            pl.BlockSpec((E, EH), lambda i: (0, 0)),
            pl.BlockSpec((HD, EH), lambda i: (0, 0)),
            pl.BlockSpec((EH, DIM), lambda i: (0, 0)),
        ],
        out_specs=pl.BlockSpec((BT, DIM), lambda i: (i, 0)),
        out_shape=jax.ShapeDtypeStruct((T, DIM), jnp.float32),
    )(o, ws, selmat, tilem, wo_flat)

    out = out2d.reshape(B, N, DIM)

    zsum = jnp.sum(zs[:, 0, 0])
    zloss = 0.001 * zsum / T
    freqs = jnp.sum(fr[:, 0, :], axis=0)
    psum = jnp.sum(ps[:, 0, :], axis=0)
    freqs_n = freqs / (jnp.sum(freqs) + 1e-9)
    pm = psum / T
    pm_n = pm / (jnp.sum(pm) + 1e-9)
    switchloss = 0.1 * E * jnp.sum(pm_n * freqs_n)
    aux_loss = zloss + switchloss
    return out, aux_loss

# --- scband reference (transcript-rebuilt; emitter-appended) ---
"""Pipeline reference for scband-mo-etask-attention-18528488915483 (READ-ONLY COPY).

The authoritative reference and input builder live on the scoring server;
editing this copy changes nothing except your own understanding.
"""

import jax, jax.numpy as jnp
import numpy as np

DIM = 768
E = 16
K = 8
HD = 96
TASKS = 9
B = 4
N = 2048


def setup_inputs(seed: int = 0) -> dict:
    key = jax.random.key(seed)
    ks = jax.random.split(key, 6)
    x = jax.random.normal(ks[0], (B, N, DIM), dtype=jnp.float32)
    w_gate = jax.random.normal(ks[1], (TASKS, DIM, E), dtype=jnp.float32) * 0.02
    Wq = jax.random.normal(ks[2], (E, DIM, HD), dtype=jnp.float32) * 0.02
    kv_w = jax.random.normal(ks[3], (DIM, 2 * HD), dtype=jnp.float32) * 0.02
    kv_b = jnp.zeros((2 * HD,), dtype=jnp.float32)
    W_out = jax.random.normal(ks[4], (E, HD, DIM), dtype=jnp.float32) * 0.02
    task_bh = 3
    return {"x": x, "w_gate": w_gate, "Wq": Wq, "kv_w": kv_w, "kv_b": kv_b, "W_out": W_out, "task_bh": task_bh}


def reference(x, w_gate, Wq, kv_w, kv_b, W_out, task_bh):
    Bx, Nx, C = x.shape
    T = Bx * Nx
    xf = x.reshape(T, C)
    # task-conditional noisy top-k gating (eval path: no noise)
    logits = xf @ w_gate[task_bh]  # (T, E)
    probs = jax.nn.softmax(logits, axis=-1)
    top_gates, top_idx = jax.lax.top_k(probs, K)
    top_gates = top_gates / (jnp.sum(top_gates, axis=-1, keepdims=True) + 1e-6)
    # aux losses: zloss + switchloss (coefs from __init__ defaults: 0.001, 0.1)
    zloss = 0.001 * jnp.mean(jax.nn.logsumexp(logits, axis=-1) ** 2)
    freqs = jnp.zeros((E,), jnp.float32).at[top_idx.reshape(-1)].add(1.0)
    freqs_n = freqs / (jnp.sum(freqs) + 1e-9)
    pm = jnp.mean(probs, axis=0)
    pm_n = pm / (jnpp_sum := jnp.sum(pm) + 1e-9)
    switchloss = 0.1 * E * jnp.sum(pm_n * freqs_n)
    aux_loss = zloss + switchloss
    # MoE map: per-token top-k expert q projections (unweighted, per MoA map())
    y_all = jnp.einsum('td,edh->teh', xf, Wq)  # all-expert projections
    q = jnp.take_along_axis(y_all, top_idx[:, :, None], axis=1)  # (T, K, HD)
    q = q.reshape(Bx, Nx, K, HD)
    # shared kv projection
    kv = xf @ kv_w + kv_b
    k_, v_ = jnp.split(kv, 2, axis=-1)
    k_ = k_.reshape(Bx, Nx, HD)
    v_ = v_.reshape(Bx, Nx, HD)
    scale = HD ** (-0.5)
    attn = jnp.einsum('bihd,bjd->bhij', q, k_) * scale
    attn = jax.nn.softmax(attn, axis=-1)
    o = jnp.einsum('bhij,bjd->bihd', attn, v_)  # (B, N, K, HD)
    # MoE reduce: gate-weighted per-expert output projections, scatter-add over experts
    ow = o.reshape(T, K, HD) * top_gates[:, :, None]
    z = jnp.zeros((T, E, HD), jnp.float32).at[jnp.arange(T)[:, None], top_idx].add(ow)
    out = jnp.einsum('teh,ehd->td', z, W_out).reshape(Bx, Nx, C)
    return out, aux_loss

if __name__ == "__main__":
    import jax
    _d = setup_inputs()
    print(jax.jit(kernel)(*tuple(_d.values())))

</pallas_src>

<mosaic_0001>
#map = affine_map<(d0, d1) -> (0, 0)>
#map1 = affine_map<(d0, d1) -> (0)>
module attributes {stable_mosaic.version = 14 : i64} {
  func.func @_sc_gather(%arg0: i32, %arg1: i32, %arg2: memref<131072x128xf32, #tpu.memory_space<hbm>>, %arg3: memref<65536xi32, #tpu.memory_space<hbm>>, %arg4: memref<65536x128xf32, #tpu.memory_space<hbm>>, %arg5: memref<128xi32, #tpu.memory_space<vmem>>, %arg6: memref<128x128xf32, #tpu.memory_space<vmem>>, %arg7: memref<!tpu.dma_semaphore, #tpu.memory_space<semaphore_mem>>) attributes {dimension_semantics = [#tpu.dimension_semantics<core_parallel>, #tpu.dimension_semantics<subcore_parallel>], iteration_bounds = array<i64: 2, 16>, scalar_prefetch = 0 : i64, scratch_operands = 3 : i64, tpu.core_type = #tpu.core_type<sc_vector_subcore>, window_params = [{transform_indices = #map}, {transform_indices = #map1}, {transform_indices = #map}]} {
    %mul3A = arith.constant 2 : i32
    %mul3A_0 = arith.muli %arg1, %mul3A : i32
    %add3A = arith.addi %mul3A_0, %arg0 : i32
    %mul3A_1 = arith.constant 2048 : i32
    %mul3A_2 = arith.muli %add3A, %mul3A_1 : i32
    %scan3A = arith.constant 0 : i32
    %scan3A_3 = arith.constant 0 : i32
    %scan3A_4 = arith.constant 16 : i32
    %scan3A_5 = arith.addi %scan3A_3, %scan3A_4 : i32
    %scan3A_6 = arith.constant 1 : i32
    scf.for %scan3A_8 = %scan3A_3 to %scan3A_5 step %scan3A_6  : i32 {
      %mul3A_9 = arith.constant 128 : i32
      %mul3A_10 = arith.muli %scan3A_8, %mul3A_9 : i32
      %add3A_11 = arith.addi %mul3A_2, %mul3A_10 : i32
      "tpu.region"() ({
        %run_scoped3A = tpu.sem_alloc : memref<!tpu.dma_semaphore, #tpu.memory_space<semaphore_mem>>
        %dma_start3A_16 = tpu.memref_slice %arg3[%add3A_11] : memref<65536xi32, #tpu.memory_space<hbm>> -> memref<128xi32, #tpu.memory_space<hbm>>
        %dma_start3A_17 = tpu.memref_slice %arg3[%add3A_11] : memref<65536xi32, #tpu.memory_space<hbm>> -> memref<128xi32, #tpu.memory_space<hbm>>
        tpu.enqueue_dma source(%dma_start3A_17 : memref<128xi32, #tpu.memory_space<hbm>>) target(%arg5 : memref<128xi32, #tpu.memory_space<vmem>>) target_semaphore(%run_scoped3A : memref<!tpu.dma_semaphore, #tpu.memory_space<semaphore_mem>>)
        %dma_wait3A_18 = tpu.memref_slice %arg3[%add3A_11] : memref<65536xi32, #tpu.memory_space<hbm>> -> memref<128xi32, #tpu.memory_space<hbm>>
        %dma_wait3A_19 = tpu.memref_slice %arg3[%add3A_11] : memref<65536xi32, #tpu.memory_space<hbm>> -> memref<128xi32, #tpu.memory_space<hbm>>
        tpu.wait_dma2 semaphore(%run_scoped3A : memref<!tpu.dma_semaphore, #tpu.memory_space<semaphore_mem>>) src(%dma_wait3A_19 : memref<128xi32, #tpu.memory_space<hbm>>) dst(%arg5 : memref<128xi32, #tpu.memory_space<vmem>>)
        tpu.yield
      }) : () -> ()
      %dma_start3A = arith.constant 0 : i32
      %dma_start3A_12 = arith.constant 0 : i32
      %dma_start3A_13 = tpu.memref_slice %arg2[%dma_start3A, %dma_start3A_12] : memref<131072x128xf32, #tpu.memory_space<hbm>> -> memref<131072x128xf32, #tpu.memory_space<hbm>>
      tpu.enqueue_indirect_dma source(%dma_start3A_13 : memref<131072x128xf32, #tpu.memory_space<hbm>>) target(%arg6 : memref<128x128xf32, #tpu.memory_space<vmem>>) offsets(%arg5 : memref<128xi32, #tpu.memory_space<vmem>>) semaphore(%arg7 : memref<!tpu.dma_semaphore, #tpu.memory_space<semaphore_mem>>)
      %dma_wait3A = arith.constant 0 : i32
      %dma_wait3A_14 = arith.constant 0 : i32
      %dma_wait3A_15 = tpu.memref_slice %arg2[%dma_wait3A, %dma_wait3A_14] : memref<131072x128xf32, #tpu.memory_space<hbm>> -> memref<131072x128xf32, #tpu.memory_space<hbm>>
      tpu.wait_indirect_dma semaphore(%arg7 : memref<!tpu.dma_semaphore, #tpu.memory_space<semaphore_mem>>) src(%dma_wait3A_15 : memref<131072x128xf32, #tpu.memory_space<hbm>>) dst(%arg6 : memref<128x128xf32, #tpu.memory_space<vmem>>)
      "tpu.region"() ({
        %run_scoped3A = tpu.sem_alloc : memref<!tpu.dma_semaphore, #tpu.memory_space<semaphore_mem>>
        %dma_start3A_16 = arith.constant 0 : i32
        %dma_start3A_17 = tpu.memref_slice %arg4[%add3A_11, %dma_start3A_16] : memref<65536x128xf32, #tpu.memory_space<hbm>> -> memref<128x128xf32, #tpu.memory_space<hbm>>
        %dma_start3A_18 = arith.constant 0 : i32
        %dma_start3A_19 = tpu.memref_slice %arg4[%add3A_11, %dma_start3A_18] : memref<65536x128xf32, #tpu.memory_space<hbm>> -> memref<128x128xf32, #tpu.memory_space<hbm>>
        tpu.enqueue_dma source(%arg6 : memref<128x128xf32, #tpu.memory_space<vmem>>) target(%dma_start3A_19 : memref<128x128xf32, #tpu.memory_space<hbm>>) target_semaphore(%run_scoped3A : memref<!tpu.dma_semaphore, #tpu.memory_space<semaphore_mem>>)
        %dma_wait3A_20 = arith.constant 0 : i32
        %dma_wait3A_21 = tpu.memref_slice %arg4[%add3A_11, %dma_wait3A_20] : memref<65536x128xf32, #tpu.memory_space<hbm>> -> memref<128x128xf32, #tpu.memory_space<hbm>>
        %dma_wait3A_22 = arith.constant 0 : i32
        %dma_wait3A_23 = tpu.memref_slice %arg4[%add3A_11, %dma_wait3A_22] : memref<65536x128xf32, #tpu.memory_space<hbm>> -> memref<128x128xf32, #tpu.memory_space<hbm>>
        tpu.wait_dma2 semaphore(%run_scoped3A : memref<!tpu.dma_semaphore, #tpu.memory_space<semaphore_mem>>) src(%arg6 : memref<128x128xf32, #tpu.memory_space<vmem>>) dst(%dma_wait3A_23 : memref<128x128xf32, #tpu.memory_space<hbm>>)
        tpu.yield
      }) : () -> ()
    }
    %scan3A_7 = arith.constant 16 : i32
    return
  }
}

module attributes {stable_mosaic.version = 14 : i64} {
  func.func @_route_proj_kernel(%arg0: i32, %arg1: memref<512x768xf32, #tpu.memory_space<vmem>>, %arg2: memref<768x16xf32, #tpu.memory_space<vmem>>, %arg3: memref<768x2048xf32, #tpu.memory_space<vmem>>, %arg4: memref<768x192xf32, #tpu.memory_space<vmem>>, %arg5: memref<1x192xf32, #tpu.memory_space<vmem>>, %arg6: memref<512x2048xf32, #tpu.memory_space<vmem>>, %arg7: memref<512x128xf32, #tpu.memory_space<vmem>>, %arg8: memref<512x128xf32, #tpu.memory_space<vmem>>, %arg9: memref<8x512x16xf32, #tpu.memory_space<vmem>>, %arg10: memref<8x512xi32, #tpu.memory_space<vmem>>, %arg11: memref<1x1x16xf32, #tpu.memory_space<vmem>>, %arg12: memref<1x1x16xf32, #tpu.memory_space<vmem>>, %arg13: memref<1x1x8xf32, #tpu.memory_space<vmem>>) attributes {dimension_semantics = [#tpu.dimension_semantics<arbitrary>], iteration_bounds = array<i64: 16>, scalar_prefetch = 0 : i64, scratch_operands = 0 : i64, tpu.core_type = #tpu.core_type<tc>, window_params = [{transform_indices = @transform_0, window_bounds = array<i64: 512, 768>}, {pipeline_mode = #tpu.pipeline_mode<synchronous>, transform_indices = @transform_1, window_bounds = array<i64: 768, 16>}, {pipeline_mode = #tpu.pipeline_mode<synchronous>, transform_indices = @transform_2, window_bounds = array<i64: 768, 2048>}, {pipeline_mode = #tpu.pipeline_mode<synchronous>, transform_indices = @transform_3, window_bounds = array<i64: 768, 192>}, {pipeline_mode = #tpu.pipeline_mode<synchronous>, transform_indices = @transform_4, window_bounds = array<i64: 1, 192>}, {transform_indices = @transform_5, window_bounds = array<i64: 512, 2048>}, {transform_indices = @transform_6, window_bounds = array<i64: 512, 128>}, {transform_indices = @transform_7, window_bounds = array<i64: 512, 128>}, {transform_indices = @transform_8, window_bounds = array<i64: 8, 512, 16>}, {transform_indices = @transform_9, window_bounds = array<i64: 8, 512>}, {transform_indices = @transform_10, window_bounds = array<i64: 1, 1, 16>}, {transform_indices = @transform_11, window_bounds = array<i64: 1, 1, 16>}, {transform_indices = @transform_12, window_bounds = array<i64: 1, 1, 8>}]} {
    %get3A = arith.constant 0 : index
    %get3A_0 = arith.constant 0 : index
    %get3A_1 = vector.load %arg1[%get3A, %get3A_0] : memref<512x768xf32, #tpu.memory_space<vmem>>, vector<512x768xf32>
    %get3A_2 = arith.constant 0 : index
    %get3A_3 = arith.constant 0 : index
    %get3A_4 = vector.load %arg4[%get3A_2, %get3A_3] : memref<768x192xf32, #tpu.memory_space<vmem>>, vector<768x192xf32>
    %dot_general3A = arith.constant dense<0.000000e+00> : vector<512x192xf32>
    %dot_general3A_5 = tpu.matmul %get3A_1, %get3A_4, %dot_general3A {dimension_numbers = #tpu.dot_dimension_numbers<[1], [0], [0], [1], [0, 0, 1, 1], [], []>, transpose_lhs_hint = false} : vector<512x768xf32>, vector<768x192xf32>, vector<512x192xf32> -> vector<512x192xf32>
    %get3A_6 = arith.constant 0 : index
    %get3A_7 = arith.constant 0 : index
    %get3A_8 = vector.load %arg5[%get3A_6, %get3A_7] : memref<1x192xf32, #tpu.memory_space<vmem>>, vector<1x192xf32>
    %add3A = vector.broadcast %get3A_8 : vector<1x192xf32> to vector<512x192xf32>
    %add3A_9 = arith.addf %dot_general3A_5, %add3A : vector<512x192xf32>
    %iota3A = tpu.iota {dimensions = array<i32: 1>} : vector<512x32xi32>
    %eq3A = arith.constant 0 : i32
    %eq3A_10 = vector.broadcast %eq3A : i32 to vector<512x32xi32>
    %eq3A_11 = arith.cmpi eq, %iota3A, %eq3A_10 : vector<512x32xi32>
    %jit3A = arith.constant 1.000000e+00 : f32
    %jit3A_12 = arith.constant 0.000000e+00 : f32
    %broadcast_in_dim3A = vector.broadcast %jit3A : f32 to vector<512x32xf32>
    %broadcast_in_dim3A_13 = vector.broadcast %jit3A_12 : f32 to vector<512x32xf32>
    %select_n3A = arith.select %eq3A_11, %broadcast_in_dim3A, %broadcast_in_dim3A_13 : vector<512x32xi1>, vector<512x32xf32>
    %broadcast_in_dim3A_14 = arith.constant 0.000000e+00 : f32
    %broadcast_in_dim3A_15 = vector.broadcast %broadcast_in_dim3A_14 : f32 to vector<512x32xf32>
    %slice3A = vector.extract_strided_slice %add3A_9 {offsets = [0, 0], sizes = [512, 96], strides = [1, 1]} : vector<512x192xf32> to vector<512x96xf32>
    %mul3A = arith.constant 0.102062076 : f32
    %mul3A_16 = vector.broadcast %mul3A : f32 to vector<512x96xf32>
    %mul3A_17 = arith.mulf %slice3A, %mul3A_16 : vector<512x96xf32>
    %concatenate3A = tpu.concatenate %mul3A_17, %broadcast_in_dim3A_15 in 1 : vector<512x96xf32>, vector<512x32xf32> -> vector<512x128xf32>
    %swap3A = arith.constant 0 : index
    %swap3A_18 = arith.constant 0 : index
    %swap3A_19 = vector.load %arg7[%swap3A, %swap3A_18] : memref<512x128xf32, #tpu.memory_space<vmem>>, vector<512x128xf32>
    tpu.vector_store %arg7[%swap3A, %swap3A_18], %concatenate3A {strides = array<i32>} : memref<512x128xf32, #tpu.memory_space<vmem>>, vector<512x128xf32>,
    %slice3A_20 = vector.extract_strided_slice %add3A_9 {offsets = [0, 96], sizes = [512, 96], strides = [1, 1]} : vector<512x192xf32> to vector<512x96xf32>
    %concatenate3A_21 = tpu.concatenate %slice3A_20, %select_n3A in 1 : vector<512x96xf32>, vector<512x32xf32> -> vector<512x128xf32>
    %swap3A_22 = arith.constant 0 : index
    %swap3A_23 = arith.constant 0 : index
    %swap3A_24 = vector.load %arg8[%swap3A_22, %swap3A_23] : memref<512x128xf32, #tpu.memory_space<vmem>>, vector<512x128xf32>
    tpu.vector_store %arg8[%swap3A_22, %swap3A_23], %concatenate3A_21 {strides = array<i32>} : memref<512x128xf32, #tpu.memory_space<vmem>>, vector<512x128xf32>,
    %get3A_25 = arith.constant 0 : index
    %get3A_26 = arith.constant 0 : index
    %get3A_27 = vector.load %arg2[%get3A_25, %get3A_26] : memref<768x16xf32, #tpu.memory_space<vmem>>, vector<768x16xf32>
    %dot_general3A_28 = arith.constant dense<0.000000e+00> : vector<512x16xf32>
    %dot_general3A_29 = tpu.matmul %get3A_1, %get3A_27, %dot_general3A_28 {dimension_numbers = #tpu.dot_dimension_numbers<[1], [0], [0], [1], [0, 0, 1, 1], [], []>, transpose_lhs_hint = false} : vector<512x768xf32>, vector<768x16xf32>, vector<512x16xf32> -> vector<512x16xf32>
    %reduce_max3A = arith.constant dense<0xFF800000> : vector<512xf32>
    %reduce_max3A_30 = vector.multi_reduction <maximumf>, %dot_general3A_29, %reduce_max3A [1] : vector<512x16xf32> to vector<512xf32>
    %broadcast_in_dim3A_31 = vector.shape_cast %reduce_max3A_30 : vector<512xf32> to vector<512x1xf32>
    %sub3A = vector.broadcast %broadcast_in_dim3A_31 : vector<512x1xf32> to vector<512x16xf32>
    %sub3A_32 = arith.subf %dot_general3A_29, %sub3A : vector<512x16xf32>
    %exp3A = math.exp %sub3A_32 : vector<512x16xf32>
    %reduce_sum3A = arith.constant dense<0.000000e+00> : vector<512xf32>
    %reduce_sum3A_33 = vector.multi_reduction <add>, %exp3A, %reduce_sum3A [1] : vector<512x16xf32> to vector<512xf32>
    %broadcast_in_dim3A_34 = vector.shape_cast %reduce_sum3A_33 : vector<512xf32> to vector<512x1xf32>
    %div3A = vector.broadcast %broadcast_in_dim3A_34 : vector<512x1xf32> to vector<512x16xf32>
    %div3A_35 = arith.divf %exp3A, %div3A : vector<512x16xf32>
    %log3A = math.log %broadcast_in_dim3A_34 : vector<512x1xf32>
    %add3A_36 = arith.addf %broadcast_in_dim3A_31, %log3A : vector<512x1xf32>
    %mul3A_37 = arith.mulf %add3A_36, %add3A_36 : vector<512x1xf32>
    %reduce_sum3A_38 = vector.shape_cast %mul3A_37 : vector<512x1xf32> to vector<1x512x1xf32>
    %reduce_sum3A_39 = arith.constant dense<0.000000e+00> : vector<1xf32>
    %reduce_sum3A_40 = vector.multi_reduction <add>, %reduce_sum3A_38, %reduce_sum3A_39 [1, 2] : vector<1x512x1xf32> to vector<1xf32>
    %reduce_sum3A_41 = vector.shape_cast %reduce_sum3A_40 : vector<1xf32> to vector<1x1x1xf32>
    %reduce_sum3A_42 = vector.extract %reduce_sum3A_41[0, 0, 0] : f32 from vector<1x1x1xf32>
    %broadcast_in_dim3A_43 = vector.broadcast %reduce_sum3A_42 : f32 to vector<1x1x8xf32>
    %swap3A_44 = arith.constant 0 : index
    %swap3A_45 = arith.constant 0 : index
    %swap3A_46 = arith.constant 0 : index
    %swap3A_47 = vector.load %arg13[%swap3A_44, %swap3A_45, %swap3A_46] : memref<1x1x8xf32, #tpu.memory_space<vmem>>, vector<1x1x8xf32>
    tpu.vector_store %arg13[%swap3A_44, %swap3A_45, %swap3A_46], %broadcast_in_dim3A_43 {strides = array<i32>} : memref<1x1x8xf32, #tpu.memory_space<vmem>>, vector<1x1x8xf32>,
    %iota3A_48 = tpu.iota {dimensions = array<i32: 1>} : vector<512x16xi32>
    %broadcast_in_dim3A_49 = arith.constant 0 : i32
    %broadcast_in_dim3A_50 = vector.broadcast %broadcast_in_dim3A_49 : i32 to vector<512x16xi32>
    %slice3A_51 = vector.extract_strided_slice %div3A_35 {offsets = [0, 0], sizes = [512, 1], strides = [1, 1]} : vector<512x16xf32> to vector<512x1xf32>
    %gt3A = vector.broadcast %slice3A_51 : vector<512x1xf32> to vector<512x16xf32>
    %gt3A_52 = arith.cmpf ogt, %gt3A, %div3A_35 : vector<512x16xf32>
    %eq3A_53 = vector.broadcast %slice3A_51 : vector<512x1xf32> to vector<512x16xf32>
    %eq3A_54 = arith.cmpf oeq, %eq3A_53, %div3A_35 : vector<512x16xf32>
    %gt3A_55 = arith.constant 0 : i32
    %gt3A_56 = vector.broadcast %gt3A_55 : i32 to vector<512x16xi32>
    %gt3A_57 = arith.cmpi sgt, %iota3A_48, %gt3A_56 : vector<512x16xi32>
    %and3A = arith.andi %eq3A_54, %gt3A_57 : vector<512x16xi1>
    %or3A = arith.ori %gt3A_52, %and3A : vector<512x16xi1>
    %jit3A_58 = arith.constant 1 : i32
    %jit3A_59 = arith.constant 0 : i32
    %broadcast_in_dim3A_60 = vector.broadcast %jit3A_58 : i32 to vector<512x16xi32>
    %broadcast_in_dim3A_61 = vector.broadcast %jit3A_59 : i32 to vector<512x16xi32>
    %select_n3A_62 = arith.select %or3A, %broadcast_in_dim3A_60, %broadcast_in_dim3A_61 : vector<512x16xi1>, vector<512x16xi32>
    %add3A_63 = arith.addi %broadcast_in_dim3A_50, %select_n3A_62 : vector<512x16xi32>
    %slice3A_64 = vector.extract_strided_slice %div3A_35 {offsets = [0, 1], sizes = [512, 1], strides = [1, 1]} : vector<512x16xf32> to vector<512x1xf32>
    %gt3A_65 = vector.broadcast %slice3A_64 : vector<512x1xf32> to vector<512x16xf32>
    %gt3A_66 = arith.cmpf ogt, %gt3A_65, %div3A_35 : vector<512x16xf32>
    %eq3A_67 = vector.broadcast %slice3A_64 : vector<512x1xf32> to vector<512x16xf32>
    %eq3A_68 = arith.cmpf oeq, %eq3A_67, %div3A_35 : vector<512x16xf32>
    %gt3A_69 = arith.constant 1 : i32
    %gt3A_70 = vector.broadcast %gt3A_69 : i32 to vector<512x16xi32>
    %gt3A_71 = arith.cmpi sgt, %iota3A_48, %gt3A_70 : vector<512x16xi32>
    %and3A_72 = arith.andi %eq3A_68, %gt3A_71 : vector<512x16xi1>
    %or3A_73 = arith.ori %gt3A_66, %and3A_72 : vector<512x16xi1>
    %jit3A_74 = arith.constant 1 : i32
    %jit3A_75 = arith.constant 0 : i32
    %broadcast_in_dim3A_76 = vector.broadcast %jit3A_74 : i32 to vector<512x16xi32>
    %broadcast_in_dim3A_77 = vector.broadcast %jit3A_75 : i32 to vector<512x16xi32>
    %select_n3A_78 = arith.select %or3A_73, %broadcast_in_dim3A_76, %broadcast_in_dim3A_77 : vector<512x16xi1>, vector<512x16xi32>
    %add3A_79 = arith.addi %add3A_63, %select_n3A_78 : vector<512x16xi32>
    %slice3A_80 = vector.extract_strided_slice %div3A_35 {offsets = [0, 2], sizes = [512, 1], strides = [1, 1]} : vector<512x16xf32> to vector<512x1xf32>
    %gt3A_81 = vector.broadcast %slice3A_80 : vector<512x1xf32> to vector<512x16xf32>
    %gt3A_82 = arith.cmpf ogt, %gt3A_81, %div3A_35 : vector<512x16xf32>
    %eq3A_83 = vector.broadcast %slice3A_80 : vector<512x1xf32> to vector<512x16xf32>
    %eq3A_84 = arith.cmpf oeq, %eq3A_83, %div3A_35 : vector<512x16xf32>
    %gt3A_85 = arith.constant 2 : i32
    %gt3A_86 = vector.broadcast %gt3A_85 : i32 to vector<512x16xi32>
    %gt3A_87 = arith.cmpi sgt, %iota3A_48, %gt3A_86 : vector<512x16xi32>
    %and3A_88 = arith.andi %eq3A_84, %gt3A_87 : vector<512x16xi1>
    %or3A_89 = arith.ori %gt3A_82, %and3A_88 : vector<512x16xi1>
    %jit3A_90 = arith.constant 1 : i32
    %jit3A_91 = arith.constant 0 : i32
    %broadcast_in_dim3A_92 = vector.broadcast %jit3A_90 : i32 to vector<512x16xi32>
    %broadcast_in_dim3A_93 = vector.broadcast %jit3A_91 : i32 to vector<512x16xi32>
    %select_n3A_94 = arith.select %or3A_89, %broadcast_in_dim3A_92, %broadcast_in_dim3A_93 : vector<512x16xi1>, vector<512x16xi32>
    %add3A_95 = arith.addi %add3A_79, %select_n3A_94 : vector<512x16xi32>
    %slice3A_96 = vector.extract_strided_slice %div3A_35 {offsets = [0, 3], sizes = [512, 1], strides = [1, 1]} : vector<512x16xf32> to vector<512x1xf32>
    %gt3A_97 = vector.broadcast %slice3A_96 : vector<512x1xf32> to vector<512x16xf32>
    %gt3A_98 = arith.cmpf ogt, %gt3A_97, %div3A_35 : vector<512x16xf32>
    %eq3A_99 = vector.broadcast %slice3A_96 : vector<512x1xf32> to vector<512x16xf32>
    %eq3A_100 = arith.cmpf oeq, %eq3A_99, %div3A_35 : vector<512x16xf32>
    %gt3A_101 = arith.constant 3 : i32
    %gt3A_102 = vector.broadcast %gt3A_101 : i32 to vector<512x16xi32>
    %gt3A_103 = arith.cmpi sgt, %iota3A_48, %gt3A_102 : vector<512x16xi32>
    %and3A_104 = arith.andi %eq3A_100, %gt3A_103 : vector<512x16xi1>
    %or3A_105 = arith.ori %gt3A_98, %and3A_104 : vector<512x16xi1>
    %jit3A_106 = arith.constant 1 : i32
    %jit3A_107 = arith.constant 0 : i32
    %broadcast_in_dim3A_108 = vector.broadcast %jit3A_106 : i32 to vector<512x16xi32>
    %broadcast_in_dim3A_109 = vector.broadcast %jit3A_107 : i32 to vector<512x16xi32>
    %select_n3A_110 = arith.select %or3A_105, %broadcast_in_dim3A_108, %broadcast_in_dim3A_109 : vector<512x16xi1>, vector<512x16xi32>
    %add3A_111 = arith.addi %add3A_95, %select_n3A_110 : vector<512x16xi32>
    %slice3A_112 = vector.extract_strided_slice %div3A_35 {offsets = [0, 4], sizes = [512, 1], strides = [1, 1]} : vector<512x16xf32> to vector<512x1xf32>
    %gt3A_113 = vector.broadcast %slice3A_112 : vector<512x1xf32> to vector<512x16xf32>
    %gt3A_114 = arith.cmpf ogt, %gt3A_113, %div3A_35 : vector<512x16xf32>
    %eq3A_115 = vector.broadcast %slice3A_112 : vector<512x1xf32> to vector<512x16xf32>
    %eq3A_116 = arith.cmpf oeq, %eq3A_115, %div3A_35 : vector<512x16xf32>
    %gt3A_117 = arith.constant 4 : i32
    %gt3A_118 = vector.broadcast %gt3A_117 : i32 to vector<512x16xi32>
    %gt3A_119 = arith.cmpi sgt, %iota3A_48, %gt3A_118 : vector<512x16xi32>
    %and3A_120 = arith.andi %eq3A_116, %gt3A_119 : vector<512x16xi1>
    %or3A_121 = arith.ori %gt3A_114, %and3A_120 : vector<512x16xi1>
    %jit3A_122 = arith.constant 1 : i32
    %jit3A_123 = arith.constant 0 : i32
    %broadcast_in_dim3A_124 = vector.broadcast %jit3A_122 : i32 to vector<512x16xi32>
    %broadcast_in_dim3A_125 = vector.broadcast %jit3A_123 : i32 to vector<512x16xi32>
    %select_n3A_126 = arith.select %or3A_121, %broadcast_in_dim3A_124, %broadcast_in_dim3A_125 : vector<512x16xi1>, vector<512x16xi32>
    %add3A_127 = arith.addi %add3A_111, %select_n3A_126 : vector<512x16xi32>
    %slice3A_128 = vector.extract_strided_slice %div3A_35 {offsets = [0, 5], sizes = [512, 1], strides = [1, 1]} : vector<512x16xf32> to vector<512x1xf32>
    %gt3A_129 = vector.broadcast %slice3A_128 : vector<512x1xf32> to vector<512x16xf32>
    %gt3A_130 = arith.cmpf ogt, %gt3A_129, %div3A_35 : vector<512x16xf32>
    %eq3A_131 = vector.broadcast %slice3A_128 : vector<512x1xf32> to vector<512x16xf32>
    %eq3A_132 = arith.cmpf oeq, %eq3A_131, %div3A_35 : vector<512x16xf32>
    %gt3A_133 = arith.constant 5 : i32
    %gt3A_134 = vector.broadcast %gt3A_133 : i32 to vector<512x16xi32>
    %gt3A_135 = arith.cmpi sgt, %iota3A_48, %gt3A_134 : vector<512x16xi32>
    %and3A_136 = arith.andi %eq3A_132, %gt3A_135 : vector<512x16xi1>
    %or3A_137 = arith.ori %gt3A_130, %and3A_136 : vector<512x16xi1>
    %jit3A_138 = arith.constant 1 : i32
    %jit3A_139 = arith.constant 0 : i32
    %broadcast_in_dim3A_140 = vector.broadcast %jit3A_138 : i32 to vector<512x16xi32>
    %broadcast_in_dim3A_141 = vector.broadcast %jit3A_139 : i32 to vector<512x16xi32>
    %select_n3A_142 = arith.select %or3A_137, %broadcast_in_dim3A_140, %broadcast_in_dim3A_141 : vector<512x16xi1>, vector<512x16xi32>
    %add3A_143 = arith.addi %add3A_127, %select_n3A_142 : vector<512x16xi32>
    %slice3A_144 = vector.extract_strided_slice %div3A_35 {offsets = [0, 6], sizes = [512, 1], strides = [1, 1]} : vector<512x16xf32> to vector<512x1xf32>
    %gt3A_145 = vector.broadcast %slice3A_144 : vector<512x1xf32> to vector<512x16xf32>
    %gt3A_146 = arith.cmpf ogt, %gt3A_145, %div3A_35 : vector<512x16xf32>
    %eq3A_147 = vector.broadcast %slice3A_144 : vector<512x1xf32> to vector<512x16xf32>
    %eq3A_148 = arith.cmpf oeq, %eq3A_147, %div3A_35 : vector<512x16xf32>
    %gt3A_149 = arith.constant 6 : i32
    %gt3A_150 = vector.broadcast %gt3A_149 : i32 to vector<512x16xi32>
    %gt3A_151 = arith.cmpi sgt, %iota3A_48, %gt3A_150 : vector<512x16xi32>
    %and3A_152 = arith.andi %eq3A_148, %gt3A_151 : vector<512x16xi1>
    %or3A_153 = arith.ori %gt3A_146, %and3A_152 : vector<512x16xi1>
    %jit3A_154 = arith.constant 1 : i32
    %jit3A_155 = arith.constant 0 : i32
    %broadcast_in_dim3A_156 = vector.broadcast %jit3A_154 : i32 to vector<512x16xi32>
    %broadcast_in_dim3A_157 = vector.broadcast %jit3A_155 : i32 to vector<512x16xi32>
    %select_n3A_158 = arith.select %or3A_153, %broadcast_in_dim3A_156, %broadcast_in_dim3A_157 : vector<512x16xi1>, vector<512x16xi32>
    %add3A_159 = arith.addi %add3A_143, %select_n3A_158 : vector<512x16xi32>
    %slice3A_160 = vector.extract_strided_slice %div3A_35 {offsets = [0, 7], sizes = [512, 1], strides = [1, 1]} : vector<512x16xf32> to vector<512x1xf32>
    %gt3A_161 = vector.broadcast %slice3A_160 : vector<512x1xf32> to vector<512x16xf32>
    %gt3A_162 = arith.cmpf ogt, %gt3A_161, %div3A_35 : vector<512x16xf32>
    %eq3A_163 = vector.broadcast %slice3A_160 : vector<512x1xf32> to vector<512x16xf32>
    %eq3A_164 = arith.cmpf oeq, %eq3A_163, %div3A_35 : vector<512x16xf32>
    %gt3A_165 = arith.constant 7 : i32
    %gt3A_166 = vector.broadcast %gt3A_165 : i32 to vector<512x16xi32>
    %gt3A_167 = arith.cmpi sgt, %iota3A_48, %gt3A_166 : vector<512x16xi32>
    %and3A_168 = arith.andi %eq3A_164, %gt3A_167 : vector<512x16xi1>
    %or3A_169 = arith.ori %gt3A_162, %and3A_168 : vector<512x16xi1>
    %jit3A_170 = arith.constant 1 : i32
    %jit3A_171 = arith.constant 0 : i32
    %broadcast_in_dim3A_172 = vector.broadcast %jit3A_170 : i32 to vector<512x16xi32>
    %broadcast_in_dim3A_173 = vector.broadcast %jit3A_171 : i32 to vector<512x16xi32>
    %select_n3A_174 = arith.select %or3A_169, %broadcast_in_dim3A_172, %broadcast_in_dim3A_173 : vector<512x16xi1>, vector<512x16xi32>
    %add3A_175 = arith.addi %add3A_159, %select_n3A_174 : vector<512x16xi32>
    %slice3A_176 = vector.extract_strided_slice %div3A_35 {offsets = [0, 8], sizes = [512, 1], strides = [1, 1]} : vector<512x16xf32> to vector<512x1xf32>
    %gt3A_177 = vector.broadcast %slice3A_176 : vector<512x1xf32> to vector<512x16xf32>
    %gt3A_178 = arith.cmpf ogt, %gt3A_177, %div3A_35 : vector<512x16xf32>
    %eq3A_179 = vector.broadcast %slice3A_176 : vector<512x1xf32> to vector<512x16xf32>
    %eq3A_180 = arith.cmpf oeq, %eq3A_179, %div3A_35 : vector<512x16xf32>
    %gt3A_181 = arith.constant 8 : i32
    %gt3A_182 = vector.broadcast %gt3A_181 : i32 to vector<512x16xi32>
    %gt3A_183 = arith.cmpi sgt, %iota3A_48, %gt3A_182 : vector<512x16xi32>
    %and3A_184 = arith.andi %eq3A_180, %gt3A_183 : vector<512x16xi1>
    %or3A_185 = arith.ori %gt3A_178, %and3A_184 : vector<512x16xi1>
    %jit3A_186 = arith.constant 1 : i32
    %jit3A_187 = arith.constant 0 : i32
    %broadcast_in_dim3A_188 = vector.broadcast %jit3A_186 : i32 to vector<512x16xi32>
    %broadcast_in_dim3A_189 = vector.broadcast %jit3A_187 : i32 to vector<512x16xi32>
    %select_n3A_190 = arith.select %or3A_185, %broadcast_in_dim3A_188, %broadcast_in_dim3A_189 : vector<512x16xi1>, vector<512x16xi32>
    %add3A_191 = arith.addi %add3A_175, %select_n3A_190 : vector<512x16xi32>
    %slice3A_192 = vector.extract_strided_slice %div3A_35 {offsets = [0, 9], sizes = [512, 1], strides = [1, 1]} : vector<512x16xf32> to vector<512x1xf32>
    %gt3A_193 = vector.broadcast %slice3A_192 : vector<512x1xf32> to vector<512x16xf32>
    %gt3A_194 = arith.cmpf ogt, %gt3A_193, %div3A_35 : vector<512x16xf32>
    %eq3A_195 = vector.broadcast %slice3A_192 : vector<512x1xf32> to vector<512x16xf32>
    %eq3A_196 = arith.cmpf oeq, %eq3A_195, %div3A_35 : vector<512x16xf32>
    %gt3A_197 = arith.constant 9 : i32
    %gt3A_198 = vector.broadcast %gt3A_197 : i32 to vector<512x16xi32>
    %gt3A_199 = arith.cmpi sgt, %iota3A_48, %gt3A_198 : vector<512x16xi32>
    %and3A_200 = arith.andi %eq3A_196, %gt3A_199 : vector<512x16xi1>
    %or3A_201 = arith.ori %gt3A_194, %and3A_200 : vector<512x16xi1>
    %jit3A_202 = arith.constant 1 : i32
    %jit3A_203 = arith.constant 0 : i32
    %broadcast_in_dim3A_204 = vector.broadcast %jit3A_202 : i32 to vector<512x16xi32>
    %broadcast_in_dim3A_205 = vector.broadcast %jit3A_203 : i32 to vector<512x16xi32>
    %select_n3A_206 = arith.select %or3A_201, %broadcast_in_dim3A_204, %broadcast_in_dim3A_205 : vector<512x16xi1>, vector<512x16xi32>
    %add3A_207 = arith.addi %add3A_191, %select_n3A_206 : vector<512x16xi32>
    %slice3A_208 = vector.extract_strided_slice %div3A_35 {offsets = [0, 10], sizes = [512, 1], strides = [1, 1]} : vector<512x16xf32> to vector<512x1xf32>
    %gt3A_209 = vector.broadcast %slice3A_208 : vector<512x1xf32> to vector<512x16xf32>
    %gt3A_210 = arith.cmpf ogt, %gt3A_209, %div3A_35 : vector<512x16xf32>
    %eq3A_211 = vector.broadcast %slice3A_208 : vector<512x1xf32> to vector<512x16xf32>
    %eq3A_212 = arith.cmpf oeq, %eq3A_211, %div3A_35 : vector<512x16xf32>
    %gt3A_213 = arith.constant 10 : i32
    %gt3A_214 = vector.broadcast %gt3A_213 : i32 to vector<512x16xi32>
    %gt3A_215 = arith.cmpi sgt, %iota3A_48, %gt3A_214 : vector<512x16xi32>
    %and3A_216 = arith.andi %eq3A_212, %gt3A_215 : vector<512x16xi1>
    %or3A_217 = arith.ori %gt3A_210, %and3A_216 : vector<512x16xi1>
    %jit3A_218 = arith.constant 1 : i32
    %jit3A_219 = arith.constant 0 : i32
    %broadcast_in_dim3A_220 = vector.broadcast %jit3A_218 : i32 to vector<512x16xi32>
    %broadcast_in_dim3A_221 = vector.broadcast %jit3A_219 : i32 to vector<512x16xi32>
    %select_n3A_222 = arith.select %or3A_217, %broadcast_in_dim3A_220, %broadcast_in_dim3A_221 : vector<512x16xi1>, vector<512x16xi32>
    %add3A_223 = arith.addi %add3A_207, %select_n3A_222 : vector<512x16xi32>
    %slice3A_224 = vector.extract_strided_slice %div3A_35 {offsets = [0, 11], sizes = [512, 1], strides = [1, 1]} : vector<512x16xf32> to vector<512x1xf32>
    %gt3A_225 = vector.broadcast %slice3A_224 : vector<512x1xf32> to vector<512x16xf32>
    %gt3A_226 = arith.cmpf ogt, %gt3A_225, %div3A_35 : vector<512x16xf32>
    %eq3A_227 = vector.broadcast %slice3A_224 : vector<512x1xf32> to vector<512x16xf32>
    %eq3A_228 = arith.cmpf oeq, %eq3A_227, %div3A_35 : vector<512x16xf32>
    %gt3A_229 = arith.constant 11 : i32
    %gt3A_230 = vector.broadcast %gt3A_229 : i32 to vector<512x16xi32>
    %gt3A_231 = arith.cmpi sgt, %iota3A_48, %gt3A_230 : vector<512x16xi32>
    %and3A_232 = arith.andi %eq3A_228, %gt3A_231 : vector<512x16xi1>
    %or3A_233 = arith.ori %gt3A_226, %and3A_232 : vector<512x16xi1>
    %jit3A_234 = arith.constant 1 : i32
    %jit3A_235 = arith.constant 0 : i32
    %broadcast_in_dim3A_236 = vector.broadcast %jit3A_234 : i32 to vector<512x16xi32>
    %broadcast_in_dim3A_237 = vector.broadcast %jit3A_235 : i32 to vector<512x16xi32>
    %select_n3A_238 = arith.select %or3A_233, %broadcast_in_dim3A_236, %broadcast_in_dim3A_237 : vector<512x16xi1>, vector<512x16xi32>
    %add3A_239 = arith.addi %add3A_223, %select_n3A_238 : vector<512x16xi32>
    %slice3A_240 = vector.extract_strided_slice %div3A_35 {offsets = [0, 12], sizes = [512, 1], strides = [1, 1]} : vector<512x16xf32> to vector<512x1xf32>
    %gt3A_241 = vector.broadcast %slice3A_240 : vector<512x1xf32> to vector<512x16xf32>
    %gt3A_242 = arith.cmpf ogt, %gt3A_241, %div3A_35 : vector<512x16xf32>
    %eq3A_243 = vector.broadcast %slice3A_240 : vector<512x1xf32> to vector<512x16xf32>
    %eq3A_244 = arith.cmpf oeq, %eq3A_243, %div3A_35 : vector<512x16xf32>
    %gt3A_245 = arith.constant 12 : i32
    %gt3A_246 = vector.broadcast %gt3A_245 : i32 to vector<512x16xi32>
    %gt3A_247 = arith.cmpi sgt, %iota3A_48, %gt3A_246 : vector<512x16xi32>
    %and3A_248 = arith.andi %eq3A_244, %gt3A_247 : vector<512x16xi1>
    %or3A_249 = arith.ori %gt3A_242, %and3A_248 : vector<512x16xi1>
    %jit3A_250 = arith.constant 1 : i32
    %jit3A_251 = arith.constant 0 : i32
    %broadcast_in_dim3A_252 = vector.broadcast %jit3A_250 : i32 to vector<512x16xi32>
    %broadcast_in_dim3A_253 = vector.broadcast %jit3A_251 : i32 to vector<512x16xi32>
    %select_n3A_254 = arith.select %or3A_249, %broadcast_in_dim3A_252, %broadcast_in_dim3A_253 : vector<512x16xi1>, vector<512x16xi32>
    %add3A_255 = arith.addi %add3A_239, %select_n3A_254 : vector<512x16xi32>
    %slice3A_256 = vector.extract_strided_slice %div3A_35 {offsets = [0, 13], sizes = [512, 1], strides = [1, 1]} : vector<512x16xf32> to vector<512x1xf32>
    %gt3A_257 = vector.broadcast %slice3A_256 : vector<512x1xf32> to vector<512x16xf32>
    %gt3A_258 = arith.cmpf ogt, %gt3A_257, %div3A_35 : vector<512x16xf32>
    %eq3A_259 = vector.broadcast %slice3A_256 : vector<512x1xf32> to vector<512x16xf32>
    %eq3A_260 = arith.cmpf oeq, %eq3A_259, %div3A_35 : vector<512x16xf32>
    %gt3A_261 = arith.constant 13 : i32
    %gt3A_262 = vector.broadcast %gt3A_261 : i32 to vector<512x16xi32>
    %gt3A_263 = arith.cmpi sgt, %iota3A_48, %gt3A_262 : vector<512x16xi32>
    %and3A_264 = arith.andi %eq3A_260, %gt3A_263 : vector<512x16xi1>
    %or3A_265 = arith.ori %gt3A_258, %and3A_264 : vector<512x16xi1>
    %jit3A_266 = arith.constant 1 : i32
    %jit3A_267 = arith.constant 0 : i32
    %broadcast_in_dim3A_268 = vector.broadcast %jit3A_266 : i32 to vector<512x16xi32>
    %broadcast_in_dim3A_269 = vector.broadcast %jit3A_267 : i32 to vector<512x16xi32>
    %select_n3A_270 = arith.select %or3A_265, %broadcast_in_dim3A_268, %broadcast_in_dim3A_269 : vector<512x16xi1>, vector<512x16xi32>
    %add3A_271 = arith.addi %add3A_255, %select_n3A_270 : vector<512x16xi32>
    %slice3A_272 = vector.extract_strided_slice %div3A_35 {offsets = [0, 14], sizes = [512, 1], strides = [1, 1]} : vector<512x16xf32> to vector<512x1xf32>
    %gt3A_273 = vector.broadcast %slice3A_272 : vector<512x1xf32> to vector<512x16xf32>
    %gt3A_274 = arith.cmpf ogt, %gt3A_273, %div3A_35 : vector<512x16xf32>
    %eq3A_275 = vector.broadcast %slice3A_272 : vector<512x1xf32> to vector<512x16xf32>
    %eq3A_276 = arith.cmpf oeq, %eq3A_275, %div3A_35 : vector<512x16xf32>
    %gt3A_277 = arith.constant 14 : i32
    %gt3A_278 = vector.broadcast %gt3A_277 : i32 to vector<512x16xi32>
    %gt3A_279 = arith.cmpi sgt, %iota3A_48, %gt3A_278 : vector<512x16xi32>
    %and3A_280 = arith.andi %eq3A_276, %gt3A_279 : vector<512x16xi1>
    %or3A_281 = arith.ori %gt3A_274, %and3A_280 : vector<512x16xi1>
    %jit3A_282 = arith.constant 1 : i32
    %jit3A_283 = arith.constant 0 : i32
    %broadcast_in_dim3A_284 = vector.broadcast %jit3A_282 : i32 to vector<512x16xi32>
    %broadcast_in_dim3A_285 = vector.broadcast %jit3A_283 : i32 to vector<512x16xi32>
    %select_n3A_286 = arith.select %or3A_281, %broadcast_in_dim3A_284, %broadcast_in_dim3A_285 : vector<512x16xi1>, vector<512x16xi32>
    %add3A_287 = arith.addi %add3A_271, %select_n3A_286 : vector<512x16xi32>
    %slice3A_288 = vector.extract_strided_slice %div3A_35 {offsets = [0, 15], sizes = [512, 1], strides = [1, 1]} : vector<512x16xf32> to vector<512x1xf32>
    %gt3A_289 = vector.broadcast %slice3A_288 : vector<512x1xf32> to vector<512x16xf32>
    %gt3A_290 = arith.cmpf ogt, %gt3A_289, %div3A_35 : vector<512x16xf32>
    %eq3A_291 = vector.broadcast %slice3A_288 : vector<512x1xf32> to vector<512x16xf32>
    %eq3A_292 = arith.cmpf oeq, %eq3A_291, %div3A_35 : vector<512x16xf32>
    %gt3A_293 = arith.constant 15 : i32
    %gt3A_294 = vector.broadcast %gt3A_293 : i32 to vector<512x16xi32>
    %gt3A_295 = arith.cmpi sgt, %iota3A_48, %gt3A_294 : vector<512x16xi32>
    %and3A_296 = arith.andi %eq3A_292, %gt3A_295 : vector<512x16xi1>
    %or3A_297 = arith.ori %gt3A_290, %and3A_296 : vector<512x16xi1>
    %jit3A_298 = arith.constant 1 : i32
    %jit3A_299 = arith.constant 0 : i32
    %broadcast_in_dim3A_300 = vector.broadcast %jit3A_298 : i32 to vector<512x16xi32>
    %broadcast_in_dim3A_301 = vector.broadcast %jit3A_299 : i32 to vector<512x16xi32>
    %select_n3A_302 = arith.select %or3A_297, %broadcast_in_dim3A_300, %broadcast_in_dim3A_301 : vector<512x16xi1>, vector<512x16xi32>
    %add3A_303 = arith.addi %add3A_287, %select_n3A_302 : vector<512x16xi32>
    %lt3A = arith.constant 8 : i32
    %lt3A_304 = vector.broadcast %lt3A : i32 to vector<512x16xi32>
    %lt3A_305 = arith.cmpi slt, %add3A_303, %lt3A_304 : vector<512x16xi32>
    %convert_element_type3A = arith.extui %lt3A_305 : vector<512x16xi1> to vector<512x16xi32>
    %convert_element_type3A_306 = arith.sitofp %convert_element_type3A : vector<512x16xi32> to vector<512x16xf32>
    %mul3A_307 = arith.mulf %convert_element_type3A_306, %div3A_35 : vector<512x16xf32>
    %reduce_sum3A_308 = arith.constant dense<0.000000e+00> : vector<512xf32>
    %reduce_sum3A_309 = vector.multi_reduction <add>, %mul3A_307, %reduce_sum3A_308 [1] : vector<512x16xf32> to vector<512xf32>
    %broadcast_in_dim3A_310 = vector.shape_cast %reduce_sum3A_309 : vector<512xf32> to vector<512x1xf32>
    %add3A_311 = arith.constant 9.99999997E-7 : f32
    %add3A_312 = vector.broadcast %add3A_311 : f32 to vector<512x1xf32>
    %add3A_313 = arith.addf %broadcast_in_dim3A_310, %add3A_312 : vector<512x1xf32>
    %div3A_314 = vector.broadcast %add3A_313 : vector<512x1xf32> to vector<512x16xf32>
    %div3A_315 = arith.divf %mul3A_307, %div3A_314 : vector<512x16xf32>
    %broadcast_in_dim3A_316 = arith.constant 0 : i32
    %broadcast_in_dim3A_317 = vector.broadcast %broadcast_in_dim3A_316 : i32 to vector<512x16xi32>
    %slice3A_318 = vector.extract_strided_slice %lt3A_305 {offsets = [0, 0], sizes = [512, 1], strides = [1, 1]} : vector<512x16xi1> to vector<512x1xi1>
    %jit3A_319 = arith.constant 1 : i32
    %jit3A_320 = arith.constant 0 : i32
    %broadcast_in_dim3A_321 = vector.broadcast %jit3A_319 : i32 to vector<512x1xi32>
    %broadcast_in_dim3A_322 = vector.broadcast %jit3A_320 : i32 to vector<512x1xi32>
    %select_n3A_323 = arith.select %slice3A_318, %broadcast_in_dim3A_321, %broadcast_in_dim3A_322 : vector<512x1xi1>, vector<512x1xi32>
    %gt3A_324 = arith.constant 0 : i32
    %gt3A_325 = vector.broadcast %gt3A_324 : i32 to vector<512x16xi32>
    %gt3A_326 = arith.cmpi sgt, %iota3A_48, %gt3A_325 : vector<512x16xi32>
    %jit3A_327 = arith.constant 0 : i32
    %broadcast_in_dim3A_328 = vector.shape_cast %select_n3A_323 : vector<512x1xi32> to vector<512x1xi32>
    %broadcast_in_dim3A_329 = vector.broadcast %broadcast_in_dim3A_328 : vector<512x1xi32> to vector<512x16xi32>
    %broadcast_in_dim3A_330 = vector.broadcast %jit3A_327 : i32 to vector<512x16xi32>
    %select_n3A_331 = arith.select %gt3A_326, %broadcast_in_dim3A_329, %broadcast_in_dim3A_330 : vector<512x16xi1>, vector<512x16xi32>
    %add3A_332 = arith.addi %broadcast_in_dim3A_317, %select_n3A_331 : vector<512x16xi32>
    %slice3A_333 = vector.extract_strided_slice %lt3A_305 {offsets = [0, 1], sizes = [512, 1], strides = [1, 1]} : vector<512x16xi1> to vector<512x1xi1>
    %jit3A_334 = arith.constant 1 : i32
    %jit3A_335 = arith.constant 0 : i32
    %broadcast_in_dim3A_336 = vector.broadcast %jit3A_334 : i32 to vector<512x1xi32>
    %broadcast_in_dim3A_337 = vector.broadcast %jit3A_335 : i32 to vector<512x1xi32>
    %select_n3A_338 = arith.select %slice3A_333, %broadcast_in_dim3A_336, %broadcast_in_dim3A_337 : vector<512x1xi1>, vector<512x1xi32>
    %gt3A_339 = arith.constant 1 : i32
    %gt3A_340 = vector.broadcast %gt3A_339 : i32 to vector<512x16xi32>
    %gt3A_341 = arith.cmpi sgt, %iota3A_48, %gt3A_340 : vector<512x16xi32>
    %jit3A_342 = arith.constant 0 : i32
    %broadcast_in_dim3A_343 = vector.shape_cast %select_n3A_338 : vector<512x1xi32> to vector<512x1xi32>
    %broadcast_in_dim3A_344 = vector.broadcast %broadcast_in_dim3A_343 : vector<512x1xi32> to vector<512x16xi32>
    %broadcast_in_dim3A_345 = vector.broadcast %jit3A_342 : i32 to vector<512x16xi32>
    %select_n3A_346 = arith.select %gt3A_341, %broadcast_in_dim3A_344, %broadcast_in_dim3A_345 : vector<512x16xi1>, vector<512x16xi32>
    %add3A_347 = arith.addi %add3A_332, %select_n3A_346 : vector<512x16xi32>
    %slice3A_348 = vector.extract_strided_slice %lt3A_305 {offsets = [0, 2], sizes = [512, 1], strides = [1, 1]} : vector<512x16xi1> to vector<512x1xi1>
    %jit3A_349 = arith.constant 1 : i32
    %jit3A_350 = arith.constant 0 : i32
    %broadcast_in_dim3A_351 = vector.broadcast %jit3A_349 : i32 to vector<512x1xi32>
    %broadcast_in_dim3A_352 = vector.broadcast %jit3A_350 : i32 to vector<512x1xi32>
    %select_n3A_353 = arith.select %slice3A_348, %broadcast_in_dim3A_351, %broadcast_in_dim3A_352 : vector<512x1xi1>, vector<512x1xi32>
    %gt3A_354 = arith.constant 2 : i32
    %gt3A_355 = vector.broadcast %gt3A_354 : i32 to vector<512x16xi32>
    %gt3A_356 = arith.cmpi sgt, %iota3A_48, %gt3A_355 : vector<512x16xi32>
    %jit3A_357 = arith.constant 0 : i32
    %broadcast_in_dim3A_358 = vector.shape_cast %select_n3A_353 : vector<512x1xi32> to vector<512x1xi32>
    %broadcast_in_dim3A_359 = vector.broadcast %broadcast_in_dim3A_358 : vector<512x1xi32> to vector<512x16xi32>
    %broadcast_in_dim3A_360 = vector.broadcast %jit3A_357 : i32 to vector<512x16xi32>
    %select_n3A_361 = arith.select %gt3A_356, %broadcast_in_dim3A_359, %broadcast_in_dim3A_360 : vector<512x16xi1>, vector<512x16xi32>
    %add3A_362 = arith.addi %add3A_347, %select_n3A_361 : vector<512x16xi32>
    %slice3A_363 = vector.extract_strided_slice %lt3A_305 {offsets = [0, 3], sizes = [512, 1], strides = [1, 1]} : vector<512x16xi1> to vector<512x1xi1>
    %jit3A_364 = arith.constant 1 : i32
    %jit3A_365 = arith.constant 0 : i32
    %broadcast_in_dim3A_366 = vector.broadcast %jit3A_364 : i32 to vector<512x1xi32>
    %broadcast_in_dim3A_367 = vector.broadcast %jit3A_365 : i32 to vector<512x1xi32>
    %select_n3A_368 = arith.select %slice3A_363, %broadcast_in_dim3A_366, %broadcast_in_dim3A_367 : vector<512x1xi1>, vector<512x1xi32>
    %gt3A_369 = arith.constant 3 : i32
    %gt3A_370 = vector.broadcast %gt3A_369 : i32 to vector<512x16xi32>
    %gt3A_371 = arith.cmpi sgt, %iota3A_48, %gt3A_370 : vector<512x16xi32>
    %jit3A_372 = arith.constant 0 : i32
    %broadcast_in_dim3A_373 = vector.shape_cast %select_n3A_368 : vector<512x1xi32> to vector<512x1xi32>
    %broadcast_in_dim3A_374 = vector.broadcast %broadcast_in_dim3A_373 : vector<512x1xi32> to vector<512x16xi32>
    %broadcast_in_dim3A_375 = vector.broadcast %jit3A_372 : i32 to vector<512x16xi32>
    %select_n3A_376 = arith.select %gt3A_371, %broadcast_in_dim3A_374, %broadcast_in_dim3A_375 : vector<512x16xi1>, vector<512x16xi32>
    %add3A_377 = arith.addi %add3A_362, %select_n3A_376 : vector<512x16xi32>
    %slice3A_378 = vector.extract_strided_slice %lt3A_305 {offsets = [0, 4], sizes = [512, 1], strides = [1, 1]} : vector<512x16xi1> to vector<512x1xi1>
    %jit3A_379 = arith.constant 1 : i32
    %jit3A_380 = arith.constant 0 : i32
    %broadcast_in_dim3A_381 = vector.broadcast %jit3A_379 : i32 to vector<512x1xi32>
    %broadcast_in_dim3A_382 = vector.broadcast %jit3A_380 : i32 to vector<512x1xi32>
    %select_n3A_383 = arith.select %slice3A_378, %broadcast_in_dim3A_381, %broadcast_in_dim3A_382 : vector<512x1xi1>, vector<512x1xi32>
    %gt3A_384 = arith.constant 4 : i32
    %gt3A_385 = vector.broadcast %gt3A_384 : i32 to vector<512x16xi32>
    %gt3A_386 = arith.cmpi sgt, %iota3A_48, %gt3A_385 : vector<512x16xi32>
    %jit3A_387 = arith.constant 0 : i32
    %broadcast_in_dim3A_388 = vector.shape_cast %select_n3A_383 : vector<512x1xi32> to vector<512x1xi32>
    %broadcast_in_dim3A_389 = vector.broadcast %broadcast_in_dim3A_388 : vector<512x1xi32> to vector<512x16xi32>
    %broadcast_in_dim3A_390 = vector.broadcast %jit3A_387 : i32 to vector<512x16xi32>
    %select_n3A_391 = arith.select %gt3A_386, %broadcast_in_dim3A_389, %broadcast_in_dim3A_390 : vector<512x16xi1>, vector<512x16xi32>
    %add3A_392 = arith.addi %add3A_377, %select_n3A_391 : vector<512x16xi32>
    %slice3A_393 = vector.extract_strided_slice %lt3A_305 {offsets = [0, 5], sizes = [512, 1], strides = [1, 1]} : vector<512x16xi1> to vector<512x1xi1>
    %jit3A_394 = arith.constant 1 : i32
    %jit3A_395 = arith.constant 0 : i32
    %broadcast_in_dim3A_396 = vector.broadcast %jit3A_394 : i32 to vector<512x1xi32>
    %broadcast_in_dim3A_397 = vector.broadcast %jit3A_395 : i32 to vector<512x1xi32>
    %select_n3A_398 = arith.select %slice3A_393, %broadcast_in_dim3A_396, %broadcast_in_dim3A_397 : vector<512x1xi1>, vector<512x1xi32>
    %gt3A_399 = arith.constant 5 : i32
    %gt3A_400 = vector.broadcast %gt3A_399 : i32 to vector<512x16xi32>
    %gt3A_401 = arith.cmpi sgt, %iota3A_48, %gt3A_400 : vector<512x16xi32>
    %jit3A_402 = arith.constant 0 : i32
    %broadcast_in_dim3A_403 = vector.shape_cast %select_n3A_398 : vector<512x1xi32> to vector<512x1xi32>
    %broadcast_in_dim3A_404 = vector.broadcast %broadcast_in_dim3A_403 : vector<512x1xi32> to vector<512x16xi32>
    %broadcast_in_dim3A_405 = vector.broadcast %jit3A_402 : i32 to vector<512x16xi32>
    %select_n3A_406 = arith.select %gt3A_401, %broadcast_in_dim3A_404, %broadcast_in_dim3A_405 : vector<512x16xi1>, vector<512x16xi32>
    %add3A_407 = arith.addi %add3A_392, %select_n3A_406 : vector<512x16xi32>
    %slice3A_408 = vector.extract_strided_slice %lt3A_305 {offsets = [0, 6], sizes = [512, 1], strides = [1, 1]} : vector<512x16xi1> to vector<512x1xi1>
    %jit3A_409 = arith.constant 1 : i32
    %jit3A_410 = arith.constant 0 : i32
    %broadcast_in_dim3A_411 = vector.broadcast %jit3A_409 : i32 to vector<512x1xi32>
    %broadcast_in_dim3A_412 = vector.broadcast %jit3A_410 : i32 to vector<512x1xi32>
    %select_n3A_413 = arith.select %slice3A_408, %broadcast_in_dim3A_411, %broadcast_in_dim3A_412 : vector<512x1xi1>, vector<512x1xi32>
    %gt3A_414 = arith.constant 6 : i32
    %gt3A_415 = vector.broadcast %gt3A_414 : i32 to vector<512x16xi32>
    %gt3A_416 = arith.cmpi sgt, %iota3A_48, %gt3A_415 : vector<512x16xi32>
    %jit3A_417 = arith.constant 0 : i32
    %broadcast_in_dim3A_418 = vector.shape_cast %select_n3A_413 : vector<512x1xi32> to vector<512x1xi32>
    %broadcast_in_dim3A_419 = vector.broadcast %broadcast_in_dim3A_418 : vector<512x1xi32> to vector<512x16xi32>
    %broadcast_in_dim3A_420 = vector.broadcast %jit3A_417 : i32 to vector<512x16xi32>
    %select_n3A_421 = arith.select %gt3A_416, %broadcast_in_dim3A_419, %broadcast_in_dim3A_420 : vector<512x16xi1>, vector<512x16xi32>
    %add3A_422 = arith.addi %add3A_407, %select_n3A_421 : vector<512x16xi32>
    %slice3A_423 = vector.extract_strided_slice %lt3A_305 {offsets = [0, 7], sizes = [512, 1], strides = [1, 1]} : vector<512x16xi1> to vector<512x1xi1>
    %jit3A_424 = arith.constant 1 : i32
    %jit3A_425 = arith.constant 0 : i32
    %broadcast_in_dim3A_426 = vector.broadcast %jit3A_424 : i32 to vector<512x1xi32>
    %broadcast_in_dim3A_427 = vector.broadcast %jit3A_425 : i32 to vector<512x1xi32>
    %select_n3A_428 = arith.select %slice3A_423, %broadcast_in_dim3A_426, %broadcast_in_dim3A_427 : vector<512x1xi1>, vector<512x1xi32>
    %gt3A_429 = arith.constant 7 : i32
    %gt3A_430 = vector.broadcast %gt3A_429 : i32 to vector<512x16xi32>
    %gt3A_431 = arith.cmpi sgt, %iota3A_48, %gt3A_430 : vector<512x16xi32>
    %jit3A_432 = arith.constant 0 : i32
    %broadcast_in_dim3A_433 = vector.shape_cast %select_n3A_428 : vector<512x1xi32> to vector<512x1xi32>
    %broadcast_in_dim3A_434 = vector.broadcast %broadcast_in_dim3A_433 : vector<512x1xi32> to vector<512x16xi32>
    %broadcast_in_dim3A_435 = vector.broadcast %jit3A_432 : i32 to vector<512x16xi32>
    %select_n3A_436 = arith.select %gt3A_431, %broadcast_in_dim3A_434, %broadcast_in_dim3A_435 : vector<512x16xi1>, vector<512x16xi32>
    %add3A_437 = arith.addi %add3A_422, %select_n3A_436 : vector<512x16xi32>
    %slice3A_438 = vector.extract_strided_slice %lt3A_305 {offsets = [0, 8], sizes = [512, 1], strides = [1, 1]} : vector<512x16xi1> to vector<512x1xi1>
    %jit3A_439 = arith.constant 1 : i32
    %jit3A_440 = arith.constant 0 : i32
    %broadcast_in_dim3A_441 = vector.broadcast %jit3A_439 : i32 to vector<512x1xi32>
    %broadcast_in_dim3A_442 = vector.broadcast %jit3A_440 : i32 to vector<512x1xi32>
    %select_n3A_443 = arith.select %slice3A_438, %broadcast_in_dim3A_441, %broadcast_in_dim3A_442 : vector<512x1xi1>, vector<512x1xi32>
    %gt3A_444 = arith.constant 8 : i32
    %gt3A_445 = vector.broadcast %gt3A_444 : i32 to vector<512x16xi32>
    %gt3A_446 = arith.cmpi sgt, %iota3A_48, %gt3A_445 : vector<512x16xi32>
    %jit3A_447 = arith.constant 0 : i32
    %broadcast_in_dim3A_448 = vector.shape_cast %select_n3A_443 : vector<512x1xi32> to vector<512x1xi32>
    %broadcast_in_dim3A_449 = vector.broadcast %broadcast_in_dim3A_448 : vector<512x1xi32> to vector<512x16xi32>
    %broadcast_in_dim3A_450 = vector.broadcast %jit3A_447 : i32 to vector<512x16xi32>
    %select_n3A_451 = arith.select %gt3A_446, %broadcast_in_dim3A_449, %broadcast_in_dim3A_450 : vector<512x16xi1>, vector<512x16xi32>
    %add3A_452 = arith.addi %add3A_437, %select_n3A_451 : vector<512x16xi32>
    %slice3A_453 = vector.extract_strided_slice %lt3A_305 {offsets = [0, 9], sizes = [512, 1], strides = [1, 1]} : vector<512x16xi1> to vector<512x1xi1>
    %jit3A_454 = arith.constant 1 : i32
    %jit3A_455 = arith.constant 0 : i32
    %broadcast_in_dim3A_456 = vector.broadcast %jit3A_454 : i32 to vector<512x1xi32>
    %broadcast_in_dim3A_457 = vector.broadcast %jit3A_455 : i32 to vector<512x1xi32>
    %select_n3A_458 = arith.select %slice3A_453, %broadcast_in_dim3A_456, %broadcast_in_dim3A_457 : vector<512x1xi1>, vector<512x1xi32>
    %gt3A_459 = arith.constant 9 : i32
    %gt3A_460 = vector.broadcast %gt3A_459 : i32 to vector<512x16xi32>
    %gt3A_461 = arith.cmpi sgt, %iota3A_48, %gt3A_460 : vector<512x16xi32>
    %jit3A_462 = arith.constant 0 : i32
    %broadcast_in_dim3A_463 = vector.shape_cast %select_n3A_458 : vector<512x1xi32> to vector<512x1xi32>
    %broadcast_in_dim3A_464 = vector.broadcast %broadcast_in_dim3A_463 : vector<512x1xi32> to vector<512x16xi32>
    %broadcast_in_dim3A_465 = vector.broadcast %jit3A_462 : i32 to vector<512x16xi32>
    %select_n3A_466 = arith.select %gt3A_461, %broadcast_in_dim3A_464, %broadcast_in_dim3A_465 : vector<512x16xi1>, vector<512x16xi32>
    %add3A_467 = arith.addi %add3A_452, %select_n3A_466 : vector<512x16xi32>
    %slice3A_468 = vector.extract_strided_slice %lt3A_305 {offsets = [0, 10], sizes = [512, 1], strides = [1, 1]} : vector<512x16xi1> to vector<512x1xi1>
    %jit3A_469 = arith.constant 1 : i32
    %jit3A_470 = arith.constant 0 : i32
    %broadcast_in_dim3A_471 = vector.broadcast %jit3A_469 : i32 to vector<512x1xi32>
    %broadcast_in_dim3A_472 = vector.broadcast %jit3A_470 : i32 to vector<512x1xi32>
    %select_n3A_473 = arith.select %slice3A_468, %broadcast_in_dim3A_471, %broadcast_in_dim3A_472 : vector<512x1xi1>, vector<512x1xi32>
    %gt3A_474 = arith.constant 10 : i32
    %gt3A_475 = vector.broadcast %gt3A_474 : i32 to vector<512x16xi32>
    %gt3A_476 = arith.cmpi sgt, %iota3A_48, %gt3A_475 : vector<512x16xi32>
    %jit3A_477 = arith.constant 0 : i32
    %broadcast_in_dim3A_478 = vector.shape_cast %select_n3A_473 : vector<512x1xi32> to vector<512x1xi32>
    %broadcast_in_dim3A_479 = vector.broadcast %broadcast_in_dim3A_478 : vector<512x1xi32> to vector<512x16xi32>
    %broadcast_in_dim3A_480 = vector.broadcast %jit3A_477 : i32 to vector<512x16xi32>
    %select_n3A_481 = arith.select %gt3A_476, %broadcast_in_dim3A_479, %broadcast_in_dim3A_480 : vector<512x16xi1>, vector<512x16xi32>
    %add3A_482 = arith.addi %add3A_467, %select_n3A_481 : vector<512x16xi32>
    %slice3A_483 = vector.extract_strided_slice %lt3A_305 {offsets = [0, 11], sizes = [512, 1], strides = [1, 1]} : vector<512x16xi1> to vector<512x1xi1>
    %jit3A_484 = arith.constant 1 : i32
    %jit3A_485 = arith.constant 0 : i32
    %broadcast_in_dim3A_486 = vector.broadcast %jit3A_484 : i32 to vector<512x1xi32>
    %broadcast_in_dim3A_487 = vector.broadcast %jit3A_485 : i32 to vector<512x1xi32>
    %select_n3A_488 = arith.select %slice3A_483, %broadcast_in_dim3A_486, %broadcast_in_dim3A_487 : vector<512x1xi1>, vector<512x1xi32>
    %gt3A_489 = arith.constant 11 : i32
    %gt3A_490 = vector.broadcast %gt3A_489 : i32 to vector<512x16xi32>
    %gt3A_491 = arith.cmpi sgt, %iota3A_48, %gt3A_490 : vector<512x16xi32>
    %jit3A_492 = arith.constant 0 : i32
    %broadcast_in_dim3A_493 = vector.shape_cast %select_n3A_488 : vector<512x1xi32> to vector<512x1xi32>
    %broadcast_in_dim3A_494 = vector.broadcast %broadcast_in_dim3A_493 : vector<512x1xi32> to vector<512x16xi32>
    %broadcast_in_dim3A_495 = vector.broadcast %jit3A_492 : i32 to vector<512x16xi32>
    %select_n3A_496 = arith.select %gt3A_491, %broadcast_in_dim3A_494, %broadcast_in_dim3A_495 : vector<512x16xi1>, vector<512x16xi32>
    %add3A_497 = arith.addi %add3A_482, %select_n3A_496 : vector<512x16xi32>
    %slice3A_498 = vector.extract_strided_slice %lt3A_305 {offsets = [0, 12], sizes = [512, 1], strides = [1, 1]} : vector<512x16xi1> to vector<512x1xi1>
    %jit3A_499 = arith.constant 1 : i32
    %jit3A_500 = arith.constant 0 : i32
    %broadcast_in_dim3A_501 = vector.broadcast %jit3A_499 : i32 to vector<512x1xi32>
    %broadcast_in_dim3A_502 = vector.broadcast %jit3A_500 : i32 to vector<512x1xi32>
    %select_n3A_503 = arith.select %slice3A_498, %broadcast_in_dim3A_501, %broadcast_in_dim3A_502 : vector<512x1xi1>, vector<512x1xi32>
    %gt3A_504 = arith.constant 12 : i32
    %gt3A_505 = vector.broadcast %gt3A_504 : i32 to vector<512x16xi32>
    %gt3A_506 = arith.cmpi sgt, %iota3A_48, %gt3A_505 : vector<512x16xi32>
    %jit3A_507 = arith.constant 0 : i32
    %broadcast_in_dim3A_508 = vector.shape_cast %select_n3A_503 : vector<512x1xi32> to vector<512x1xi32>
    %broadcast_in_dim3A_509 = vector.broadcast %broadcast_in_dim3A_508 : vector<512x1xi32> to vector<512x16xi32>
    %broadcast_in_dim3A_510 = vector.broadcast %jit3A_507 : i32 to vector<512x16xi32>
    %select_n3A_511 = arith.select %gt3A_506, %broadcast_in_dim3A_509, %broadcast_in_dim3A_510 : vector<512x16xi1>, vector<512x16xi32>
    %add3A_512 = arith.addi %add3A_497, %select_n3A_511 : vector<512x16xi32>
    %slice3A_513 = vector.extract_strided_slice %lt3A_305 {offsets = [0, 13], sizes = [512, 1], strides = [1, 1]} : vector<512x16xi1> to vector<512x1xi1>
    %jit3A_514 = arith.constant 1 : i32
    %jit3A_515 = arith.constant 0 : i32
    %broadcast_in_dim3A_516 = vector.broadcast %jit3A_514 : i32 to vector<512x1xi32>
    %broadcast_in_dim3A_517 = vector.broadcast %jit3A_515 : i32 to vector<512x1xi32>
    %select_n3A_518 = arith.select %slice3A_513, %broadcast_in_dim3A_516, %broadcast_in_dim3A_517 : vector<512x1xi1>, vector<512x1xi32>
    %gt3A_519 = arith.constant 13 : i32
    %gt3A_520 = vector.broadcast %gt3A_519 : i32 to vector<512x16xi32>
    %gt3A_521 = arith.cmpi sgt, %iota3A_48, %gt3A_520 : vector<512x16xi32>
    %jit3A_522 = arith.constant 0 : i32
    %broadcast_in_dim3A_523 = vector.shape_cast %select_n3A_518 : vector<512x1xi32> to vector<512x1xi32>
    %broadcast_in_dim3A_524 = vector.broadcast %broadcast_in_dim3A_523 : vector<512x1xi32> to vector<512x16xi32>
    %broadcast_in_dim3A_525 = vector.broadcast %jit3A_522 : i32 to vector<512x16xi32>
    %select_n3A_526 = arith.select %gt3A_521, %broadcast_in_dim3A_524, %broadcast_in_dim3A_525 : vector<512x16xi1>, vector<512x16xi32>
    %add3A_527 = arith.addi %add3A_512, %select_n3A_526 : vector<512x16xi32>
    %slice3A_528 = vector.extract_strided_slice %lt3A_305 {offsets = [0, 14], sizes = [512, 1], strides = [1, 1]} : vector<512x16xi1> to vector<512x1xi1>
    %jit3A_529 = arith.constant 1 : i32
    %jit3A_530 = arith.constant 0 : i32
    %broadcast_in_dim3A_531 = vector.broadcast %jit3A_529 : i32 to vector<512x1xi32>
    %broadcast_in_dim3A_532 = vector.broadcast %jit3A_530 : i32 to vector<512x1xi32>
    %select_n3A_533 = arith.select %slice3A_528, %broadcast_in_dim3A_531, %broadcast_in_dim3A_532 : vector<512x1xi1>, vector<512x1xi32>
    %gt3A_534 = arith.constant 14 : i32
    %gt3A_535 = vector.broadcast %gt3A_534 : i32 to vector<512x16xi32>
    %gt3A_536 = arith.cmpi sgt, %iota3A_48, %gt3A_535 : vector<512x16xi32>
    %jit3A_537 = arith.constant 0 : i32
    %broadcast_in_dim3A_538 = vector.shape_cast %select_n3A_533 : vector<512x1xi32> to vector<512x1xi32>
    %broadcast_in_dim3A_539 = vector.broadcast %broadcast_in_dim3A_538 : vector<512x1xi32> to vector<512x16xi32>
    %broadcast_in_dim3A_540 = vector.broadcast %jit3A_537 : i32 to vector<512x16xi32>
    %select_n3A_541 = arith.select %gt3A_536, %broadcast_in_dim3A_539, %broadcast_in_dim3A_540 : vector<512x16xi1>, vector<512x16xi32>
    %add3A_542 = arith.addi %add3A_527, %select_n3A_541 : vector<512x16xi32>
    %slice3A_543 = vector.extract_strided_slice %lt3A_305 {offsets = [0, 15], sizes = [512, 1], strides = [1, 1]} : vector<512x16xi1> to vector<512x1xi1>
    %jit3A_544 = arith.constant 1 : i32
    %jit3A_545 = arith.constant 0 : i32
    %broadcast_in_dim3A_546 = vector.broadcast %jit3A_544 : i32 to vector<512x1xi32>
    %broadcast_in_dim3A_547 = vector.broadcast %jit3A_545 : i32 to vector<512x1xi32>
    %select_n3A_548 = arith.select %slice3A_543, %broadcast_in_dim3A_546, %broadcast_in_dim3A_547 : vector<512x1xi1>, vector<512x1xi32>
    %gt3A_549 = arith.constant 15 : i32
    %gt3A_550 = vector.broadcast %gt3A_549 : i32 to vector<512x16xi32>
    %gt3A_551 = arith.cmpi sgt, %iota3A_48, %gt3A_550 : vector<512x16xi32>
    %jit3A_552 = arith.constant 0 : i32
    %broadcast_in_dim3A_553 = vector.shape_cast %select_n3A_548 : vector<512x1xi32> to vector<512x1xi32>
    %broadcast_in_dim3A_554 = vector.broadcast %broadcast_in_dim3A_553 : vector<512x1xi32> to vector<512x16xi32>
    %broadcast_in_dim3A_555 = vector.broadcast %jit3A_552 : i32 to vector<512x16xi32>
    %select_n3A_556 = arith.select %gt3A_551, %broadcast_in_dim3A_554, %broadcast_in_dim3A_555 : vector<512x16xi1>, vector<512x16xi32>
    %add3A_557 = arith.addi %add3A_542, %select_n3A_556 : vector<512x16xi32>
    %get3A_558 = arith.constant 0 : index
    %get3A_559 = arith.constant 0 : index
    %get3A_560 = vector.load %arg3[%get3A_558, %get3A_559] : memref<768x2048xf32, #tpu.memory_space<vmem>>, vector<768x2048xf32>
    %dot_general3A_561 = arith.constant dense<0.000000e+00> : vector<512x2048xf32>
    %dot_general3A_562 = tpu.matmul %get3A_1, %get3A_560, %dot_general3A_561 {dimension_numbers = #tpu.dot_dimension_numbers<[1], [0], [0], [1], [0, 0, 1, 1], [], []>, transpose_lhs_hint = false} : vector<512x768xf32>, vector<768x2048xf32>, vector<512x2048xf32> -> vector<512x2048xf32>
    %swap3A_563 = arith.constant 0 : index
    %swap3A_564 = arith.constant 0 : index
    %swap3A_565 = vector.load %arg6[%swap3A_563, %swap3A_564] : memref<512x2048xf32, #tpu.memory_space<vmem>>, vector<512x2048xf32>
    tpu.vector_store %arg6[%swap3A_563, %swap3A_564], %dot_general3A_562 {strides = array<i32>} : memref<512x2048xf32, #tpu.memory_space<vmem>>, vector<512x2048xf32>,
    %convert_element_type3A_566 = arith.sitofp %iota3A_48 : vector<512x16xi32> to vector<512x16xf32>
    %iota3A_567 = tpu.iota {dimensions = array<i32: 0>} : vector<512x1xi32>
    %mul3A_568 = arith.constant 512 : i32
    %mul3A_569 = arith.muli %arg0, %mul3A_568 : i32
    %add3A_570 = vector.broadcast %mul3A_569 : i32 to vector<512x1xi32>
    %add3A_571 = arith.addi %iota3A_567, %add3A_570 : vector<512x1xi32>
    %convert_element_type3A_572 = arith.sitofp %add3A_571 : vector<512x1xi32> to vector<512x1xf32>
    %eq3A_573 = arith.constant 0 : i32
    %eq3A_574 = vector.broadcast %eq3A_573 : i32 to vector<512x16xi32>
    %eq3A_575 = arith.cmpi eq, %add3A_557, %eq3A_574 : vector<512x16xi32>
    %convert_element_type3A_576 = arith.extui %eq3A_575 : vector<512x16xi1> to vector<512x16xi32>
    %convert_element_type3A_577 = arith.sitofp %convert_element_type3A_576 : vector<512x16xi32> to vector<512x16xf32>
    %mul3A_578 = arith.mulf %convert_element_type3A_306, %convert_element_type3A_577 : vector<512x16xf32>
    %mul3A_579 = arith.mulf %mul3A_578, %div3A_315 : vector<512x16xf32>
    %swap3A_580 = arith.constant 0 : index
    %swap3A_581 = arith.constant 0 : index
    %swap3A_582 = arith.constant 0 : index
    %swap3A_583 = vector.load %arg9[%swap3A_580, %swap3A_581, %swap3A_582] : memref<8x512x16xf32, #tpu.memory_space<vmem>>, vector<1x512x16xf32>
    %swap3A_584 = vector.shape_cast %swap3A_583 : vector<1x512x16xf32> to vector<512x16xf32>
    %swap3A_585 = vector.shape_cast %mul3A_579 : vector<512x16xf32> to vector<1x512x16xf32>
    tpu.vector_store %arg9[%swap3A_580, %swap3A_581, %swap3A_582], %swap3A_585 {strides = array<i32>} : memref<8x512x16xf32, #tpu.memory_space<vmem>>, vector<1x512x16xf32>,
    %mul3A_586 = arith.mulf %mul3A_578, %convert_element_type3A_566 : vector<512x16xf32>
    %reduce_sum3A_587 = arith.constant dense<0.000000e+00> : vector<512xf32>
    %reduce_sum3A_588 = vector.multi_reduction <add>, %mul3A_586, %reduce_sum3A_587 [1] : vector<512x16xf32> to vector<512xf32>
    %broadcast_in_dim3A_589 = vector.shape_cast %reduce_sum3A_588 : vector<512xf32> to vector<512x1xf32>
    %mul3A_590 = arith.constant 1.600000e+01 : f32
    %mul3A_591 = vector.broadcast %mul3A_590 : f32 to vector<512x1xf32>
    %mul3A_592 = arith.mulf %convert_element_type3A_572, %mul3A_591 : vector<512x1xf32>
    %add3A_593 = arith.addf %mul3A_592, %broadcast_in_dim3A_589 : vector<512x1xf32>
    %eq3A_594 = arith.constant 1 : i32
    %eq3A_595 = vector.broadcast %eq3A_594 : i32 to vector<512x16xi32>
    %eq3A_596 = arith.cmpi eq, %add3A_557, %eq3A_595 : vector<512x16xi32>
    %convert_element_type3A_597 = arith.extui %eq3A_596 : vector<512x16xi1> to vector<512x16xi32>
    %convert_element_type3A_598 = arith.sitofp %convert_element_type3A_597 : vector<512x16xi32> to vector<512x16xf32>
    %mul3A_599 = arith.mulf %convert_element_type3A_306, %convert_element_type3A_598 : vector<512x16xf32>
    %mul3A_600 = arith.mulf %mul3A_599, %div3A_315 : vector<512x16xf32>
    %swap3A_601 = arith.constant 1 : index
    %swap3A_602 = arith.constant 0 : index
    %swap3A_603 = arith.constant 0 : index
    %swap3A_604 = vector.load %arg9[%swap3A_601, %swap3A_602, %swap3A_603] : memref<8x512x16xf32, #tpu.memory_space<vmem>>, vector<1x512x16xf32>
    %swap3A_605 = vector.shape_cast %swap3A_604 : vector<1x512x16xf32> to vector<512x16xf32>
    %swap3A_606 = vector.shape_cast %mul3A_600 : vector<512x16xf32> to vector<1x512x16xf32>
    tpu.vector_store %arg9[%swap3A_601, %swap3A_602, %swap3A_603], %swap3A_606 {strides = array<i32>} : memref<8x512x16xf32, #tpu.memory_space<vmem>>, vector<1x512x16xf32>,
    %mul3A_607 = arith.mulf %mul3A_599, %convert_element_type3A_566 : vector<512x16xf32>
    %reduce_sum3A_608 = arith.constant dense<0.000000e+00> : vector<512xf32>
    %reduce_sum3A_609 = vector.multi_reduction <add>, %mul3A_607, %reduce_sum3A_608 [1] : vector<512x16xf32> to vector<512xf32>
    %broadcast_in_dim3A_610 = vector.shape_cast %reduce_sum3A_609 : vector<512xf32> to vector<512x1xf32>
    %mul3A_611 = arith.constant 1.600000e+01 : f32
    %mul3A_612 = vector.broadcast %mul3A_611 : f32 to vector<512x1xf32>
    %mul3A_613 = arith.mulf %convert_element_type3A_572, %mul3A_612 : vector<512x1xf32>
    %add3A_614 = arith.addf %mul3A_613, %broadcast_in_dim3A_610 : vector<512x1xf32>
    %eq3A_615 = arith.constant 2 : i32
    %eq3A_616 = vector.broadcast %eq3A_615 : i32 to vector<512x16xi32>
    %eq3A_617 = arith.cmpi eq, %add3A_557, %eq3A_616 : vector<512x16xi32>
    %convert_element_type3A_618 = arith.extui %eq3A_617 : vector<512x16xi1> to vector<512x16xi32>
    %convert_element_type3A_619 = arith.sitofp %convert_element_type3A_618 : vector<512x16xi32> to vector<512x16xf32>
    %mul3A_620 = arith.mulf %convert_element_type3A_306, %convert_element_type3A_619 : vector<512x16xf32>
    %mul3A_621 = arith.mulf %mul3A_620, %div3A_315 : vector<512x16xf32>
    %swap3A_622 = arith.constant 2 : index
    %swap3A_623 = arith.constant 0 : index
    %swap3A_624 = arith.constant 0 : index
    %swap3A_625 = vector.load %arg9[%swap3A_622, %swap3A_623, %swap3A_624] : memref<8x512x16xf32, #tpu.memory_space<vmem>>, vector<1x512x16xf32>
    %swap3A_626 = vector.shape_cast %swap3A_625 : vector<1x512x16xf32> to vector<512x16xf32>
    %swap3A_627 = vector.shape_cast %mul3A_621 : vector<512x16xf32> to vector<1x512x16xf32>
    tpu.vector_store %arg9[%swap3A_622, %swap3A_623, %swap3A_624], %swap3A_627 {strides = array<i32>} : memref<8x512x16xf32, #tpu.memory_space<vmem>>, vector<1x512x16xf32>,
    %mul3A_628 = arith.mulf %mul3A_620, %convert_element_type3A_566 : vector<512x16xf32>
    %reduce_sum3A_629 = arith.constant dense<0.000000e+00> : vector<512xf32>
    %reduce_sum3A_630 = vector.multi_reduction <add>, %mul3A_628, %reduce_sum3A_629 [1] : vector<512x16xf32> to vector<512xf32>
    %broadcast_in_dim3A_631 = vector.shape_cast %reduce_sum3A_630 : vector<512xf32> to vector<512x1xf32>
    %mul3A_632 = arith.constant 1.600000e+01 : f32
    %mul3A_633 = vector.broadcast %mul3A_632 : f32 to vector<512x1xf32>
    %mul3A_634 = arith.mulf %convert_element_type3A_572, %mul3A_633 : vector<512x1xf32>
    %add3A_635 = arith.addf %mul3A_634, %broadcast_in_dim3A_631 : vector<512x1xf32>
    %eq3A_636 = arith.constant 3 : i32
    %eq3A_637 = vector.broadcast %eq3A_636 : i32 to vector<512x16xi32>
    %eq3A_638 = arith.cmpi eq, %add3A_557, %eq3A_637 : vector<512x16xi32>
    %convert_element_type3A_639 = arith.extui %eq3A_638 : vector<512x16xi1> to vector<512x16xi32>
    %convert_element_type3A_640 = arith.sitofp %convert_element_type3A_639 : vector<512x16xi32> to vector<512x16xf32>
    %mul3A_641 = arith.mulf %convert_element_type3A_306, %convert_element_type3A_640 : vector<512x16xf32>
    %mul3A_642 = arith.mulf %mul3A_641, %div3A_315 : vector<512x16xf32>
    %swap3A_643 = arith.constant 3 : index
    %swap3A_644 = arith.constant 0 : index
    %swap3A_645 = arith.constant 0 : index
    %swap3A_646 = vector.load %arg9[%swap3A_643, %swap3A_644, %swap3A_645] : memref<8x512x16xf32, #tpu.memory_space<vmem>>, vector<1x512x16xf32>
    %swap3A_647 = vector.shape_cast %swap3A_646 : vector<1x512x16xf32> to vector<512x16xf32>
    %swap3A_648 = vector.shape_cast %mul3A_642 : vector<512x16xf32> to vector<1x512x16xf32>
    tpu.vector_store %arg9[%swap3A_643, %swap3A_644, %swap3A_645], %swap3A_648 {strides = array<i32>} : memref<8x512x16xf32, #tpu.memory_space<vmem>>, vector<1x512x16xf32>,
    %mul3A_649 = arith.mulf %mul3A_641, %convert_element_type3A_566 : vector<512x16xf32>
    %reduce_sum3A_650 = arith.constant dense<0.000000e+00> : vector<512xf32>
    %reduce_sum3A_651 = vector.multi_reduction <add>, %mul3A_649, %reduce_sum3A_650 [1] : vector<512x16xf32> to vector<512xf32>
    %broadcast_in_dim3A_652 = vector.shape_cast %reduce_sum3A_651 : vector<512xf32> to vector<512x1xf32>
    %mul3A_653 = arith.constant 1.600000e+01 : f32
    %mul3A_654 = vector.broadcast %mul3A_653 : f32 to vector<512x1xf32>
    %mul3A_655 = arith.mulf %convert_element_type3A_572, %mul3A_654 : vector<512x1xf32>
    %add3A_656 = arith.addf %mul3A_655, %broadcast_in_dim3A_652 : vector<512x1xf32>
    %eq3A_657 = arith.constant 4 : i32
    %eq3A_658 = vector.broadcast %eq3A_657 : i32 to vector<512x16xi32>
    %eq3A_659 = arith.cmpi eq, %add3A_557, %eq3A_658 : vector<512x16xi32>
    %convert_element_type3A_660 = arith.extui %eq3A_659 : vector<512x16xi1> to vector<512x16xi32>
    %convert_element_type3A_661 = arith.sitofp %convert_element_type3A_660 : vector<512x16xi32> to vector<512x16xf32>
    %mul3A_662 = arith.mulf %convert_element_type3A_306, %convert_element_type3A_661 : vector<512x16xf32>
    %mul3A_663 = arith.mulf %mul3A_662, %div3A_315 : vector<512x16xf32>
    %swap3A_664 = arith.constant 4 : index
    %swap3A_665 = arith.constant 0 : index
    %swap3A_666 = arith.constant 0 : index
    %swap3A_667 = vector.load %arg9[%swap3A_664, %swap3A_665, %swap3A_666] : memref<8x512x16xf32, #tpu.memory_space<vmem>>, vector<1x512x16xf32>
    %swap3A_668 = vector.shape_cast %swap3A_667 : vector<1x512x16xf32> to vector<512x16xf32>
    %swap3A_669 = vector.shape_cast %mul3A_663 : vector<512x16xf32> to vector<1x512x16xf32>
    tpu.vector_store %arg9[%swap3A_664, %swap3A_665, %swap3A_666], %swap3A_669 {strides = array<i32>} : memref<8x512x16xf32, #tpu.memory_space<vmem>>, vector<1x512x16xf32>,
    %mul3A_670 = arith.mulf %mul3A_662, %convert_element_type3A_566 : vector<512x16xf32>
    %reduce_sum3A_671 = arith.constant dense<0.000000e+00> : vector<512xf32>
    %reduce_sum3A_672 = vector.multi_reduction <add>, %mul3A_670, %reduce_sum3A_671 [1] : vector<512x16xf32> to vector<512xf32>
    %broadcast_in_dim3A_673 = vector.shape_cast %reduce_sum3A_672 : vector<512xf32> to vector<512x1xf32>
    %mul3A_674 = arith.constant 1.600000e+01 : f32
    %mul3A_675 = vector.broadcast %mul3A_674 : f32 to vector<512x1xf32>
    %mul3A_676 = arith.mulf %convert_element_type3A_572, %mul3A_675 : vector<512x1xf32>
    %add3A_677 = arith.addf %mul3A_676, %broadcast_in_dim3A_673 : vector<512x1xf32>
    %eq3A_678 = arith.constant 5 : i32
    %eq3A_679 = vector.broadcast %eq3A_678 : i32 to vector<512x16xi32>
    %eq3A_680 = arith.cmpi eq, %add3A_557, %eq3A_679 : vector<512x16xi32>
    %convert_element_type3A_681 = arith.extui %eq3A_680 : vector<512x16xi1> to vector<512x16xi32>
    %convert_element_type3A_682 = arith.sitofp %convert_element_type3A_681 : vector<512x16xi32> to vector<512x16xf32>
    %mul3A_683 = arith.mulf %convert_element_type3A_306, %convert_element_type3A_682 : vector<512x16xf32>
    %mul3A_684 = arith.mulf %mul3A_683, %div3A_315 : vector<512x16xf32>
    %swap3A_685 = arith.constant 5 : index
    %swap3A_686 = arith.constant 0 : index
    %swap3A_687 = arith.constant 0 : index
    %swap3A_688 = vector.load %arg9[%swap3A_685, %swap3A_686, %swap3A_687] : memref<8x512x16xf32, #tpu.memory_space<vmem>>, vector<1x512x16xf32>
    %swap3A_689 = vector.shape_cast %swap3A_688 : vector<1x512x16xf32> to vector<512x16xf32>
    %swap3A_690 = vector.shape_cast %mul3A_684 : vector<512x16xf32> to vector<1x512x16xf32>
    tpu.vector_store %arg9[%swap3A_685, %swap3A_686, %swap3A_687], %swap3A_690 {strides = array<i32>} : memref<8x512x16xf32, #tpu.memory_space<vmem>>, vector<1x512x16xf32>,
    %mul3A_691 = arith.mulf %mul3A_683, %convert_element_type3A_566 : vector<512x16xf32>
    %reduce_sum3A_692 = arith.constant dense<0.000000e+00> : vector<512xf32>
    %reduce_sum3A_693 = vector.multi_reduction <add>, %mul3A_691, %reduce_sum3A_692 [1] : vector<512x16xf32> to vector<512xf32>
    %broadcast_in_dim3A_694 = vector.shape_cast %reduce_sum3A_693 : vector<512xf32> to vector<512x1xf32>
    %mul3A_695 = arith.constant 1.600000e+01 : f32
    %mul3A_696 = vector.broadcast %mul3A_695 : f32 to vector<512x1xf32>
    %mul3A_697 = arith.mulf %convert_element_type3A_572, %mul3A_696 : vector<512x1xf32>
    %add3A_698 = arith.addf %mul3A_697, %broadcast_in_dim3A_694 : vector<512x1xf32>
    %eq3A_699 = arith.constant 6 : i32
    %eq3A_700 = vector.broadcast %eq3A_699 : i32 to vector<512x16xi32>
    %eq3A_701 = arith.cmpi eq, %add3A_557, %eq3A_700 : vector<512x16xi32>
    %convert_element_type3A_702 = arith.extui %eq3A_701 : vector<512x16xi1> to vector<512x16xi32>
    %convert_element_type3A_703 = arith.sitofp %convert_element_type3A_702 : vector<512x16xi32> to vector<512x16xf32>
    %mul3A_704 = arith.mulf %convert_element_type3A_306, %convert_element_type3A_703 : vector<512x16xf32>
    %mul3A_705 = arith.mulf %mul3A_704, %div3A_315 : vector<512x16xf32>
    %swap3A_706 = arith.constant 6 : index
    %swap3A_707 = arith.constant 0 : index
    %swap3A_708 = arith.constant 0 : index
    %swap3A_709 = vector.load %arg9[%swap3A_706, %swap3A_707, %swap3A_708] : memref<8x512x16xf32, #tpu.memory_space<vmem>>, vector<1x512x16xf32>
    %swap3A_710 = vector.shape_cast %swap3A_709 : vector<1x512x16xf32> to vector<512x16xf32>
    %swap3A_711 = vector.shape_cast %mul3A_705 : vector<512x16xf32> to vector<1x512x16xf32>
    tpu.vector_store %arg9[%swap3A_706, %swap3A_707, %swap3A_708], %swap3A_711 {strides = array<i32>} : memref<8x512x16xf32, #tpu.memory_space<vmem>>, vector<1x512x16xf32>,
    %mul3A_712 = arith.mulf %mul3A_704, %convert_element_type3A_566 : vector<512x16xf32>
    %reduce_sum3A_713 = arith.constant dense<0.000000e+00> : vector<512xf32>
    %reduce_sum3A_714 = vector.multi_reduction <add>, %mul3A_712, %reduce_sum3A_713 [1] : vector<512x16xf32> to vector<512xf32>
    %broadcast_in_dim3A_715 = vector.shape_cast %reduce_sum3A_714 : vector<512xf32> to vector<512x1xf32>
    %mul3A_716 = arith.constant 1.600000e+01 : f32
    %mul3A_717 = vector.broadcast %mul3A_716 : f32 to vector<512x1xf32>
    %mul3A_718 = arith.mulf %convert_element_type3A_572, %mul3A_717 : vector<512x1xf32>
    %add3A_719 = arith.addf %mul3A_718, %broadcast_in_dim3A_715 : vector<512x1xf32>
    %eq3A_720 = arith.constant 7 : i32
    %eq3A_721 = vector.broadcast %eq3A_720 : i32 to vector<512x16xi32>
    %eq3A_722 = arith.cmpi eq, %add3A_557, %eq3A_721 : vector<512x16xi32>
    %convert_element_type3A_723 = arith.extui %eq3A_722 : vector<512x16xi1> to vector<512x16xi32>
    %convert_element_type3A_724 = arith.sitofp %convert_element_type3A_723 : vector<512x16xi32> to vector<512x16xf32>
    %mul3A_725 = arith.mulf %convert_element_type3A_306, %convert_element_type3A_724 : vector<512x16xf32>
    %mul3A_726 = arith.mulf %mul3A_725, %div3A_315 : vector<512x16xf32>
    %swap3A_727 = arith.constant 7 : index
    %swap3A_728 = arith.constant 0 : index
    %swap3A_729 = arith.constant 0 : index
    %swap3A_730 = vector.load %arg9[%swap3A_727, %swap3A_728, %swap3A_729] : memref<8x512x16xf32, #tpu.memory_space<vmem>>, vector<1x512x16xf32>
    %swap3A_731 = vector.shape_cast %swap3A_730 : vector<1x512x16xf32> to vector<512x16xf32>
    %swap3A_732 = vector.shape_cast %mul3A_726 : vector<512x16xf32> to vector<1x512x16xf32>
    tpu.vector_store %arg9[%swap3A_727, %swap3A_728, %swap3A_729], %swap3A_732 {strides = array<i32>} : memref<8x512x16xf32, #tpu.memory_space<vmem>>, vector<1x512x16xf32>,
    %mul3A_733 = arith.mulf %mul3A_725, %convert_element_type3A_566 : vector<512x16xf32>
    %reduce_sum3A_734 = arith.constant dense<0.000000e+00> : vector<512xf32>
    %reduce_sum3A_735 = vector.multi_reduction <add>, %mul3A_733, %reduce_sum3A_734 [1] : vector<512x16xf32> to vector<512xf32>
    %broadcast_in_dim3A_736 = vector.shape_cast %reduce_sum3A_735 : vector<512xf32> to vector<512x1xf32>
    %mul3A_737 = arith.constant 1.600000e+01 : f32
    %mul3A_738 = vector.broadcast %mul3A_737 : f32 to vector<512x1xf32>
    %mul3A_739 = arith.mulf %convert_element_type3A_572, %mul3A_738 : vector<512x1xf32>
    %add3A_740 = arith.addf %mul3A_739, %broadcast_in_dim3A_736 : vector<512x1xf32>
    %concatenate3A_741 = tpu.concatenate %add3A_593, %add3A_614, %add3A_635, %add3A_656, %add3A_677, %add3A_698, %add3A_719, %add3A_740 in 1 : vector<512x1xf32>, vector<512x1xf32>, vector<512x1xf32>, vector<512x1xf32>, vector<512x1xf32>, vector<512x1xf32>, vector<512x1xf32>, vector<512x1xf32> -> vector<512x8xf32>
    %convert_element_type3A_742 = arith.fptosi %concatenate3A_741 : vector<512x8xf32> to vector<512x8xi32>
    %transpose3A = tpu.transpose %convert_element_type3A_742, [1, 0] : vector<512x8xi32> -> vector<8x512xi32>
    %swap3A_743 = arith.constant 0 : index
    %swap3A_744 = arith.constant 0 : index
    %swap3A_745 = vector.load %arg10[%swap3A_743, %swap3A_744] : memref<8x512xi32, #tpu.memory_space<vmem>>, vector<8x512xi32>
    tpu.vector_store %arg10[%swap3A_743, %swap3A_744], %transpose3A {strides = array<i32>} : memref<8x512xi32, #tpu.memory_space<vmem>>, vector<8x512xi32>,
    %reduce_sum3A_746 = arith.constant dense<0.000000e+00> : vector<16xf32>
    %reduce_sum3A_747 = vector.multi_reduction <add>, %convert_element_type3A_306, %reduce_sum3A_746 [0] : vector<512x16xf32> to vector<16xf32>
    %broadcast_in_dim3A_748 = vector.shape_cast %reduce_sum3A_747 : vector<16xf32> to vector<1x16xf32>
    %swap3A_749 = arith.constant 0 : index
    %swap3A_750 = arith.constant 0 : index
    %swap3A_751 = arith.constant 0 : index
    %swap3A_752 = vector.load %arg11[%swap3A_749, %swap3A_750, %swap3A_751] : memref<1x1x16xf32, #tpu.memory_space<vmem>>, vector<1x1x16xf32>
    %swap3A_753 = vector.shape_cast %swap3A_752 : vector<1x1x16xf32> to vector<1x16xf32>
    %swap3A_754 = vector.shape_cast %broadcast_in_dim3A_748 : vector<1x16xf32> to vector<1x1x16xf32>
    tpu.vector_store %arg11[%swap3A_749, %swap3A_750, %swap3A_751], %swap3A_754 {strides = array<i32>} : memref<1x1x16xf32, #tpu.memory_space<vmem>>, vector<1x1x16xf32>,
    %reduce_sum3A_755 = arith.constant dense<0.000000e+00> : vector<16xf32>
    %reduce_sum3A_756 = vector.multi_reduction <add>, %div3A_35, %reduce_sum3A_755 [0] : vector<512x16xf32> to vector<16xf32>
    %broadcast_in_dim3A_757 = vector.shape_cast %reduce_sum3A_756 : vector<16xf32> to vector<1x16xf32>
    %swap3A_758 = arith.constant 0 : index
    %swap3A_759 = arith.constant 0 : index
    %swap3A_760 = arith.constant 0 : index
    %swap3A_761 = vector.load %arg12[%swap3A_758, %swap3A_759, %swap3A_760] : memref<1x1x16xf32, #tpu.memory_space<vmem>>, vector<1x1x16xf32>
    %swap3A_762 = vector.shape_cast %swap3A_761 : vector<1x1x16xf32> to vector<1x16xf32>
    %swap3A_763 = vector.shape_cast %broadcast_in_dim3A_757 : vector<1x16xf32> to vector<1x1x16xf32>
    tpu.vector_store %arg12[%swap3A_758, %swap3A_759, %swap3A_760], %swap3A_763 {strides = array<i32>} : memref<1x1x16xf32, #tpu.memory_space<vmem>>, vector<1x1x16xf32>,
    return
  }
  func.func @transform_0(%arg0: i32) -> (i32, i32) {
    %c0_i32 = arith.constant 0 : i32
    %c0_i32_0 = arith.constant 0 : i32
    return %arg0, %c0_i32 : i32, i32
  }
  func.func @transform_1(%arg0: i32) -> (i32, i32) {
    %c0_i32 = arith.constant 0 : i32
    %c0_i32_0 = arith.constant 0 : i32
    %c0_i32_1 = arith.constant 0 : i32
    return %c0_i32, %c0_i32_0 : i32, i32
  }
  func.func @transform_2(%arg0: i32) -> (i32, i32) {
    %c0_i32 = arith.constant 0 : i32
    %c0_i32_0 = arith.constant 0 : i32
    %c0_i32_1 = arith.constant 0 : i32
    return %c0_i32, %c0_i32_0 : i32, i32
  }
  func.func @transform_3(%arg0: i32) -> (i32, i32) {
    %c0_i32 = arith.constant 0 : i32
    %c0_i32_0 = arith.constant 0 : i32
    %c0_i32_1 = arith.constant 0 : i32
    return %c0_i32, %c0_i32_0 : i32, i32
  }
  func.func @transform_4(%arg0: i32) -> (i32, i32) {
    %c0_i32 = arith.constant 0 : i32
    %c0_i32_0 = arith.constant 0 : i32
    %c0_i32_1 = arith.constant 0 : i32
    return %c0_i32, %c0_i32_0 : i32, i32
  }
  func.func @transform_5(%arg0: i32) -> (i32, i32) {
    %c0_i32 = arith.constant 0 : i32
    %c0_i32_0 = arith.constant 0 : i32
    return %arg0, %c0_i32 : i32, i32
  }
  func.func @transform_6(%arg0: i32) -> (i32, i32) {
    %c0_i32 = arith.constant 0 : i32
    %c0_i32_0 = arith.constant 0 : i32
    return %arg0, %c0_i32 : i32, i32
  }
  func.func @transform_7(%arg0: i32) -> (i32, i32) {
    %c0_i32 = arith.constant 0 : i32
    %c0_i32_0 = arith.constant 0 : i32
    return %arg0, %c0_i32 : i32, i32
  }
  func.func @transform_8(%arg0: i32) -> (i32, i32, i32) {
    %c0_i32 = arith.constant 0 : i32
    %c0_i32_0 = arith.constant 0 : i32
    %c0_i32_1 = arith.constant 0 : i32
    return %c0_i32, %arg0, %c0_i32_0 : i32, i32, i32
  }
  func.func @transform_9(%arg0: i32) -> (i32, i32) {
    %c0_i32 = arith.constant 0 : i32
    %c0_i32_0 = arith.constant 0 : i32
    return %c0_i32, %arg0 : i32, i32
  }
  func.func @transform_10(%arg0: i32) -> (i32, i32, i32) {
    %c0_i32 = arith.constant 0 : i32
    %c0_i32_0 = arith.constant 0 : i32
    %c0_i32_1 = arith.constant 0 : i32
    return %arg0, %c0_i32, %c0_i32_0 : i32, i32, i32
  }
  func.func @transform_11(%arg0: i32) -> (i32, i32, i32) {
    %c0_i32 = arith.constant 0 : i32
    %c0_i32_0 = arith.constant 0 : i32
    %c0_i32_1 = arith.constant 0 : i32
    return %arg0, %c0_i32, %c0_i32_0 : i32, i32, i32
  }
  func.func @transform_12(%arg0: i32) -> (i32, i32, i32) {
    %c0_i32 = arith.constant 0 : i32
    %c0_i32_0 = arith.constant 0 : i32
    %c0_i32_1 = arith.constant 0 : i32
    return %arg0, %c0_i32, %c0_i32_0 : i32, i32, i32
  }
}

module attributes {stable_mosaic.version = 14 : i64} {
  func.func @_attn_moe_kernel(%arg0: i32, %arg1: i32, %arg2: i32, %arg3: memref<1x1024x128xf32, #tpu.memory_space<vmem>>, %arg4: memref<1x2048x128xf32, #tpu.memory_space<vmem>>, %arg5: memref<1x2048x128xf32, #tpu.memory_space<vmem>>, %arg6: memref<1x1024x128xf32, #tpu.memory_space<vmem>>) attributes {dimension_semantics = [#tpu.dimension_semantics<arbitrary>, #tpu.dimension_semantics<arbitrary>, #tpu.dimension_semantics<arbitrary>], iteration_bounds = array<i64: 4, 2, 8>, scalar_prefetch = 0 : i64, scratch_operands = 0 : i64, tpu.core_type = #tpu.core_type<tc>, window_params = [{transform_indices = @transform_0, window_bounds = array<i64: 1, 1024, 128>}, {transform_indices = @transform_1, window_bounds = array<i64: 1, 2048, 128>}, {transform_indices = @transform_2, window_bounds = array<i64: 1, 2048, 128>}, {transform_indices = @transform_3, window_bounds = array<i64: 1, 1024, 128>}]} {
    %get3A = arith.constant 0 : index
    %get3A_0 = arith.constant 0 : index
    %get3A_1 = arith.constant 0 : index
    %get3A_2 = vector.load %arg3[%get3A, %get3A_0, %get3A_1] : memref<1x1024x128xf32, #tpu.memory_space<vmem>>, vector<1x1024x128xf32>
    %get3A_3 = vector.shape_cast %get3A_2 : vector<1x1024x128xf32> to vector<1024x128xf32>
    %get3A_4 = arith.constant 0 : index
    %get3A_5 = arith.constant 0 : index
    %get3A_6 = arith.constant 0 : index
    %get3A_7 = vector.load %arg4[%get3A_4, %get3A_5, %get3A_6] : memref<1x2048x128xf32, #tpu.memory_space<vmem>>, vector<1x2048x128xf32>
    %get3A_8 = vector.shape_cast %get3A_7 : vector<1x2048x128xf32> to vector<2048x128xf32>
    %dot_general3A = arith.constant dense<0.000000e+00> : vector<1024x2048xf32>
    %dot_general3A_9 = tpu.matmul %get3A_3, %get3A_8, %dot_general3A {dimension_numbers = #tpu.dot_dimension_numbers<[1], [1], [0], [0], [0, 0, 1, 0], [], []>, transpose_lhs_hint = false} : vector<1024x128xf32>, vector<2048x128xf32>, vector<1024x2048xf32> -> vector<1024x2048xf32>
    %exp3A = math.exp %dot_general3A_9 : vector<1024x2048xf32>
    %get3A_10 = arith.constant 0 : index
    %get3A_11 = arith.constant 0 : index
    %get3A_12 = arith.constant 0 : index
    %get3A_13 = vector.load %arg5[%get3A_10, %get3A_11, %get3A_12] : memref<1x2048x128xf32, #tpu.memory_space<vmem>>, vector<1x2048x128xf32>
    %get3A_14 = vector.shape_cast %get3A_13 : vector<1x2048x128xf32> to vector<2048x128xf32>
    %dot_general3A_15 = arith.constant dense<0.000000e+00> : vector<1024x128xf32>
    %dot_general3A_16 = tpu.matmul %exp3A, %get3A_14, %dot_general3A_15 {dimension_numbers = #tpu.dot_dimension_numbers<[1], [0], [0], [1], [0, 0, 1, 1], [], []>, transpose_lhs_hint = false} : vector<1024x2048xf32>, vector<2048x128xf32>, vector<1024x128xf32> -> vector<1024x128xf32>
    %slice3A = vector.extract_strided_slice %dot_general3A_16 {offsets = [0, 0], sizes = [1024, 96], strides = [1, 1]} : vector<1024x128xf32> to vector<1024x96xf32>
    %slice3A_17 = vector.extract_strided_slice %dot_general3A_16 {offsets = [0, 96], sizes = [1024, 1], strides = [1, 1]} : vector<1024x128xf32> to vector<1024x1xf32>
    %div3A = vector.broadcast %slice3A_17 : vector<1024x1xf32> to vector<1024x96xf32>
    %div3A_18 = arith.divf %slice3A, %div3A : vector<1024x96xf32>
    %broadcast_in_dim3A = arith.constant 0.000000e+00 : f32
    %broadcast_in_dim3A_19 = vector.broadcast %broadcast_in_dim3A : f32 to vector<1024x32xf32>
    %concatenate3A = tpu.concatenate %div3A_18, %broadcast_in_dim3A_19 in 1 : vector<1024x96xf32>, vector<1024x32xf32> -> vector<1024x128xf32>
    %swap3A = arith.constant 0 : index
    %swap3A_20 = arith.constant 0 : index
    %swap3A_21 = arith.constant 0 : index
    %swap3A_22 = vector.load %arg6[%swap3A, %swap3A_20, %swap3A_21] : memref<1x1024x128xf32, #tpu.memory_space<vmem>>, vector<1x1024x128xf32>
    %swap3A_23 = vector.shape_cast %swap3A_22 : vector<1x1024x128xf32> to vector<1024x128xf32>
    %swap3A_24 = vector.shape_cast %concatenate3A : vector<1024x128xf32> to vector<1x1024x128xf32>
    tpu.vector_store %arg6[%swap3A, %swap3A_20, %swap3A_21], %swap3A_24 {strides = array<i32>} : memref<1x1024x128xf32, #tpu.memory_space<vmem>>, vector<1x1024x128xf32>,
    return
  }
  func.func @transform_0(%arg0: i32, %arg1: i32, %arg2: i32) -> (i32, i32, i32) {
    %mul3A = arith.constant 2 : i32
    %mul3A_0 = arith.muli %arg0, %mul3A : i32
    %add3A = arith.addi %mul3A_0, %arg1 : i32
    %c0_i32 = arith.constant 0 : i32
    %c0_i32_1 = arith.constant 0 : i32
    return %arg2, %add3A, %c0_i32 : i32, i32, i32
  }
  func.func @transform_1(%arg0: i32, %arg1: i32, %arg2: i32) -> (i32, i32, i32) {
    %c0_i32 = arith.constant 0 : i32
    %c0_i32_0 = arith.constant 0 : i32
    %c0_i32_1 = arith.constant 0 : i32
    return %c0_i32, %arg0, %c0_i32_0 : i32, i32, i32
  }
  func.func @transform_2(%arg0: i32, %arg1: i32, %arg2: i32) -> (i32, i32, i32) {
    %c0_i32 = arith.constant 0 : i32
    %c0_i32_0 = arith.constant 0 : i32
    %c0_i32_1 = arith.constant 0 : i32
    return %c0_i32, %arg0, %c0_i32_0 : i32, i32, i32
  }
  func.func @transform_3(%arg0: i32, %arg1: i32, %arg2: i32) -> (i32, i32, i32) {
    %mul3A = arith.constant 2 : i32
    %mul3A_0 = arith.muli %arg0, %mul3A : i32
    %add3A = arith.addi %mul3A_0, %arg1 : i32
    %c0_i32 = arith.constant 0 : i32
    %c0_i32_1 = arith.constant 0 : i32
    return %arg2, %add3A, %c0_i32 : i32, i32, i32
  }
}

module attributes {stable_mosaic.version = 14 : i64} {
  func.func @_reduce_kernel(%arg0: i32, %arg1: memref<8x512x128xf32, #tpu.memory_space<vmem>>, %arg2: memref<8x512x16xf32, #tpu.memory_space<vmem>>, %arg3: memref<16x1536xf32, #tpu.memory_space<vmem>>, %arg4: memref<96x1536xf32, #tpu.memory_space<vmem>>, %arg5: memref<1536x768xf32, #tpu.memory_space<vmem>>, %arg6: memref<512x768xf32, #tpu.memory_space<vmem>>) attributes {dimension_semantics = [#tpu.dimension_semantics<arbitrary>], iteration_bounds = array<i64: 16>, scalar_prefetch = 0 : i64, scratch_operands = 0 : i64, tpu.core_type = #tpu.core_type<tc>, window_params = [{transform_indices = @transform_0, window_bounds = array<i64: 8, 512, 128>}, {transform_indices = @transform_1, window_bounds = array<i64: 8, 512, 16>}, {pipeline_mode = #tpu.pipeline_mode<synchronous>, transform_indices = @transform_2, window_bounds = array<i64: 16, 1536>}, {pipeline_mode = #tpu.pipeline_mode<synchronous>, transform_indices = @transform_3, window_bounds = array<i64: 96, 1536>}, {pipeline_mode = #tpu.pipeline_mode<synchronous>, transform_indices = @transform_4, window_bounds = array<i64: 1536, 768>}, {transform_indices = @transform_5, window_bounds = array<i64: 512, 768>}]} {
    %get3A = arith.constant 0 : index
    %get3A_0 = arith.constant 0 : index
    %get3A_1 = vector.load %arg3[%get3A, %get3A_0] : memref<16x1536xf32, #tpu.memory_space<vmem>>, vector<16x1536xf32>
    %get3A_2 = arith.constant 0 : index
    %get3A_3 = arith.constant 0 : index
    %get3A_4 = vector.load %arg4[%get3A_2, %get3A_3] : memref<96x1536xf32, #tpu.memory_space<vmem>>, vector<96x1536xf32>
    %broadcast_in_dim3A = arith.constant 0.000000e+00 : f32
    %broadcast_in_dim3A_5 = vector.broadcast %broadcast_in_dim3A : f32 to vector<512x1536xf32>
    %get3A_6 = arith.constant 0 : index
    %get3A_7 = arith.constant 0 : index
    %get3A_8 = arith.constant 0 : index
    %get3A_9 = vector.load %arg2[%get3A_6, %get3A_7, %get3A_8] : memref<8x512x16xf32, #tpu.memory_space<vmem>>, vector<1x512x16xf32>
    %get3A_10 = vector.shape_cast %get3A_9 : vector<1x512x16xf32> to vector<512x16xf32>
    %dot_general3A = arith.constant dense<0.000000e+00> : vector<512x1536xf32>
    %dot_general3A_11 = tpu.matmul %get3A_10, %get3A_1, %dot_general3A {dimension_numbers = #tpu.dot_dimension_numbers<[1], [0], [0], [1], [0, 0, 1, 1], [], []>, transpose_lhs_hint = false} : vector<512x16xf32>, vector<16x1536xf32>, vector<512x1536xf32> -> vector<512x1536xf32>
    %get3A_12 = arith.constant 0 : index
    %get3A_13 = arith.constant 0 : index
    %get3A_14 = arith.constant 0 : index
    %get3A_15 = vector.load %arg1[%get3A_12, %get3A_13, %get3A_14] : memref<8x512x128xf32, #tpu.memory_space<vmem>>, vector<1x512x128xf32>
    %get3A_16 = vector.shape_cast %get3A_15 : vector<1x512x128xf32> to vector<512x128xf32>
    %slice3A = vector.extract_strided_slice %get3A_16 {offsets = [0, 0], sizes = [512, 96], strides = [1, 1]} : vector<512x128xf32> to vector<512x96xf32>
    %dot_general3A_17 = arith.constant dense<0.000000e+00> : vector<512x1536xf32>
    %dot_general3A_18 = tpu.matmul %slice3A, %get3A_4, %dot_general3A_17 {dimension_numbers = #tpu.dot_dimension_numbers<[1], [0], [0], [1], [0, 0, 1, 1], [], []>, transpose_lhs_hint = false} : vector<512x96xf32>, vector<96x1536xf32>, vector<512x1536xf32> -> vector<512x1536xf32>
    %mul3A = arith.mulf %dot_general3A_11, %dot_general3A_18 : vector<512x1536xf32>
    %add3A = arith.addf %broadcast_in_dim3A_5, %mul3A : vector<512x1536xf32>
    %get3A_19 = arith.constant 1 : index
    %get3A_20 = arith.constant 0 : index
    %get3A_21 = arith.constant 0 : index
    %get3A_22 = vector.load %arg2[%get3A_19, %get3A_20, %get3A_21] : memref<8x512x16xf32, #tpu.memory_space<vmem>>, vector<1x512x16xf32>
    %get3A_23 = vector.shape_cast %get3A_22 : vector<1x512x16xf32> to vector<512x16xf32>
    %dot_general3A_24 = arith.constant dense<0.000000e+00> : vector<512x1536xf32>
    %dot_general3A_25 = tpu.matmul %get3A_23, %get3A_1, %dot_general3A_24 {dimension_numbers = #tpu.dot_dimension_numbers<[1], [0], [0], [1], [0, 0, 1, 1], [], []>, transpose_lhs_hint = false} : vector<512x16xf32>, vector<16x1536xf32>, vector<512x1536xf32> -> vector<512x1536xf32>
    %get3A_26 = arith.constant 1 : index
    %get3A_27 = arith.constant 0 : index
    %get3A_28 = arith.constant 0 : index
    %get3A_29 = vector.load %arg1[%get3A_26, %get3A_27, %get3A_28] : memref<8x512x128xf32, #tpu.memory_space<vmem>>, vector<1x512x128xf32>
    %get3A_30 = vector.shape_cast %get3A_29 : vector<1x512x128xf32> to vector<512x128xf32>
    %slice3A_31 = vector.extract_strided_slice %get3A_30 {offsets = [0, 0], sizes = [512, 96], strides = [1, 1]} : vector<512x128xf32> to vector<512x96xf32>
    %dot_general3A_32 = arith.constant dense<0.000000e+00> : vector<512x1536xf32>
    %dot_general3A_33 = tpu.matmul %slice3A_31, %get3A_4, %dot_general3A_32 {dimension_numbers = #tpu.dot_dimension_numbers<[1], [0], [0], [1], [0, 0, 1, 1], [], []>, transpose_lhs_hint = false} : vector<512x96xf32>, vector<96x1536xf32>, vector<512x1536xf32> -> vector<512x1536xf32>
    %mul3A_34 = arith.mulf %dot_general3A_25, %dot_general3A_33 : vector<512x1536xf32>
    %add3A_35 = arith.addf %add3A, %mul3A_34 : vector<512x1536xf32>
    %get3A_36 = arith.constant 2 : index
    %get3A_37 = arith.constant 0 : index
    %get3A_38 = arith.constant 0 : index
    %get3A_39 = vector.load %arg2[%get3A_36, %get3A_37, %get3A_38] : memref<8x512x16xf32, #tpu.memory_space<vmem>>, vector<1x512x16xf32>
    %get3A_40 = vector.shape_cast %get3A_39 : vector<1x512x16xf32> to vector<512x16xf32>
    %dot_general3A_41 = arith.constant dense<0.000000e+00> : vector<512x1536xf32>
    %dot_general3A_42 = tpu.matmul %get3A_40, %get3A_1, %dot_general3A_41 {dimension_numbers = #tpu.dot_dimension_numbers<[1], [0], [0], [1], [0, 0, 1, 1], [], []>, transpose_lhs_hint = false} : vector<512x16xf32>, vector<16x1536xf32>, vector<512x1536xf32> -> vector<512x1536xf32>
    %get3A_43 = arith.constant 2 : index
    %get3A_44 = arith.constant 0 : index
    %get3A_45 = arith.constant 0 : index
    %get3A_46 = vector.load %arg1[%get3A_43, %get3A_44, %get3A_45] : memref<8x512x128xf32, #tpu.memory_space<vmem>>, vector<1x512x128xf32>
    %get3A_47 = vector.shape_cast %get3A_46 : vector<1x512x128xf32> to vector<512x128xf32>
    %slice3A_48 = vector.extract_strided_slice %get3A_47 {offsets = [0, 0], sizes = [512, 96], strides = [1, 1]} : vector<512x128xf32> to vector<512x96xf32>
    %dot_general3A_49 = arith.constant dense<0.000000e+00> : vector<512x1536xf32>
    %dot_general3A_50 = tpu.matmul %slice3A_48, %get3A_4, %dot_general3A_49 {dimension_numbers = #tpu.dot_dimension_numbers<[1], [0], [0], [1], [0, 0, 1, 1], [], []>, transpose_lhs_hint = false} : vector<512x96xf32>, vector<96x1536xf32>, vector<512x1536xf32> -> vector<512x1536xf32>
    %mul3A_51 = arith.mulf %dot_general3A_42, %dot_general3A_50 : vector<512x1536xf32>
    %add3A_52 = arith.addf %add3A_35, %mul3A_51 : vector<512x1536xf32>
    %get3A_53 = arith.constant 3 : index
    %get3A_54 = arith.constant 0 : index
    %get3A_55 = arith.constant 0 : index
    %get3A_56 = vector.load %arg2[%get3A_53, %get3A_54, %get3A_55] : memref<8x512x16xf32, #tpu.memory_space<vmem>>, vector<1x512x16xf32>
    %get3A_57 = vector.shape_cast %get3A_56 : vector<1x512x16xf32> to vector<512x16xf32>
    %dot_general3A_58 = arith.constant dense<0.000000e+00> : vector<512x1536xf32>
    %dot_general3A_59 = tpu.matmul %get3A_57, %get3A_1, %dot_general3A_58 {dimension_numbers = #tpu.dot_dimension_numbers<[1], [0], [0], [1], [0, 0, 1, 1], [], []>, transpose_lhs_hint = false} : vector<512x16xf32>, vector<16x1536xf32>, vector<512x1536xf32> -> vector<512x1536xf32>
    %get3A_60 = arith.constant 3 : index
    %get3A_61 = arith.constant 0 : index
    %get3A_62 = arith.constant 0 : index
    %get3A_63 = vector.load %arg1[%get3A_60, %get3A_61, %get3A_62] : memref<8x512x128xf32, #tpu.memory_space<vmem>>, vector<1x512x128xf32>
    %get3A_64 = vector.shape_cast %get3A_63 : vector<1x512x128xf32> to vector<512x128xf32>
    %slice3A_65 = vector.extract_strided_slice %get3A_64 {offsets = [0, 0], sizes = [512, 96], strides = [1, 1]} : vector<512x128xf32> to vector<512x96xf32>
    %dot_general3A_66 = arith.constant dense<0.000000e+00> : vector<512x1536xf32>
    %dot_general3A_67 = tpu.matmul %slice3A_65, %get3A_4, %dot_general3A_66 {dimension_numbers = #tpu.dot_dimension_numbers<[1], [0], [0], [1], [0, 0, 1, 1], [], []>, transpose_lhs_hint = false} : vector<512x96xf32>, vector<96x1536xf32>, vector<512x1536xf32> -> vector<512x1536xf32>
    %mul3A_68 = arith.mulf %dot_general3A_59, %dot_general3A_67 : vector<512x1536xf32>
    %add3A_69 = arith.addf %add3A_52, %mul3A_68 : vector<512x1536xf32>
    %get3A_70 = arith.constant 4 : index
    %get3A_71 = arith.constant 0 : index
    %get3A_72 = arith.constant 0 : index
    %get3A_73 = vector.load %arg2[%get3A_70, %get3A_71, %get3A_72] : memref<8x512x16xf32, #tpu.memory_space<vmem>>, vector<1x512x16xf32>
    %get3A_74 = vector.shape_cast %get3A_73 : vector<1x512x16xf32> to vector<512x16xf32>
    %dot_general3A_75 = arith.constant dense<0.000000e+00> : vector<512x1536xf32>
    %dot_general3A_76 = tpu.matmul %get3A_74, %get3A_1, %dot_general3A_75 {dimension_numbers = #tpu.dot_dimension_numbers<[1], [0], [0], [1], [0, 0, 1, 1], [], []>, transpose_lhs_hint = false} : vector<512x16xf32>, vector<16x1536xf32>, vector<512x1536xf32> -> vector<512x1536xf32>
    %get3A_77 = arith.constant 4 : index
    %get3A_78 = arith.constant 0 : index
    %get3A_79 = arith.constant 0 : index
    %get3A_80 = vector.load %arg1[%get3A_77, %get3A_78, %get3A_79] : memref<8x512x128xf32, #tpu.memory_space<vmem>>, vector<1x512x128xf32>
    %get3A_81 = vector.shape_cast %get3A_80 : vector<1x512x128xf32> to vector<512x128xf32>
    %slice3A_82 = vector.extract_strided_slice %get3A_81 {offsets = [0, 0], sizes = [512, 96], strides = [1, 1]} : vector<512x128xf32> to vector<512x96xf32>
    %dot_general3A_83 = arith.constant dense<0.000000e+00> : vector<512x1536xf32>
    %dot_general3A_84 = tpu.matmul %slice3A_82, %get3A_4, %dot_general3A_83 {dimension_numbers = #tpu.dot_dimension_numbers<[1], [0], [0], [1], [0, 0, 1, 1], [], []>, transpose_lhs_hint = false} : vector<512x96xf32>, vector<96x1536xf32>, vector<512x1536xf32> -> vector<512x1536xf32>
    %mul3A_85 = arith.mulf %dot_general3A_76, %dot_general3A_84 : vector<512x1536xf32>
    %add3A_86 = arith.addf %add3A_69, %mul3A_85 : vector<512x1536xf32>
    %get3A_87 = arith.constant 5 : index
    %get3A_88 = arith.constant 0 : index
    %get3A_89 = arith.constant 0 : index
    %get3A_90 = vector.load %arg2[%get3A_87, %get3A_88, %get3A_89] : memref<8x512x16xf32, #tpu.memory_space<vmem>>, vector<1x512x16xf32>
    %get3A_91 = vector.shape_cast %get3A_90 : vector<1x512x16xf32> to vector<512x16xf32>
    %dot_general3A_92 = arith.constant dense<0.000000e+00> : vector<512x1536xf32>
    %dot_general3A_93 = tpu.matmul %get3A_91, %get3A_1, %dot_general3A_92 {dimension_numbers = #tpu.dot_dimension_numbers<[1], [0], [0], [1], [0, 0, 1, 1], [], []>, transpose_lhs_hint = false} : vector<512x16xf32>, vector<16x1536xf32>, vector<512x1536xf32> -> vector<512x1536xf32>
    %get3A_94 = arith.constant 5 : index
    %get3A_95 = arith.constant 0 : index
    %get3A_96 = arith.constant 0 : index
    %get3A_97 = vector.load %arg1[%get3A_94, %get3A_95, %get3A_96] : memref<8x512x128xf32, #tpu.memory_space<vmem>>, vector<1x512x128xf32>
    %get3A_98 = vector.shape_cast %get3A_97 : vector<1x512x128xf32> to vector<512x128xf32>
    %slice3A_99 = vector.extract_strided_slice %get3A_98 {offsets = [0, 0], sizes = [512, 96], strides = [1, 1]} : vector<512x128xf32> to vector<512x96xf32>
    %dot_general3A_100 = arith.constant dense<0.000000e+00> : vector<512x1536xf32>
    %dot_general3A_101 = tpu.matmul %slice3A_99, %get3A_4, %dot_general3A_100 {dimension_numbers = #tpu.dot_dimension_numbers<[1], [0], [0], [1], [0, 0, 1, 1], [], []>, transpose_lhs_hint = false} : vector<512x96xf32>, vector<96x1536xf32>, vector<512x1536xf32> -> vector<512x1536xf32>
    %mul3A_102 = arith.mulf %dot_general3A_93, %dot_general3A_101 : vector<512x1536xf32>
    %add3A_103 = arith.addf %add3A_86, %mul3A_102 : vector<512x1536xf32>
    %get3A_104 = arith.constant 6 : index
    %get3A_105 = arith.constant 0 : index
    %get3A_106 = arith.constant 0 : index
    %get3A_107 = vector.load %arg2[%get3A_104, %get3A_105, %get3A_106] : memref<8x512x16xf32, #tpu.memory_space<vmem>>, vector<1x512x16xf32>
    %get3A_108 = vector.shape_cast %get3A_107 : vector<1x512x16xf32> to vector<512x16xf32>
    %dot_general3A_109 = arith.constant dense<0.000000e+00> : vector<512x1536xf32>
    %dot_general3A_110 = tpu.matmul %get3A_108, %get3A_1, %dot_general3A_109 {dimension_numbers = #tpu.dot_dimension_numbers<[1], [0], [0], [1], [0, 0, 1, 1], [], []>, transpose_lhs_hint = false} : vector<512x16xf32>, vector<16x1536xf32>, vector<512x1536xf32> -> vector<512x1536xf32>
    %get3A_111 = arith.constant 6 : index
    %get3A_112 = arith.constant 0 : index
    %get3A_113 = arith.constant 0 : index
    %get3A_114 = vector.load %arg1[%get3A_111, %get3A_112, %get3A_113] : memref<8x512x128xf32, #tpu.memory_space<vmem>>, vector<1x512x128xf32>
    %get3A_115 = vector.shape_cast %get3A_114 : vector<1x512x128xf32> to vector<512x128xf32>
    %slice3A_116 = vector.extract_strided_slice %get3A_115 {offsets = [0, 0], sizes = [512, 96], strides = [1, 1]} : vector<512x128xf32> to vector<512x96xf32>
    %dot_general3A_117 = arith.constant dense<0.000000e+00> : vector<512x1536xf32>
    %dot_general3A_118 = tpu.matmul %slice3A_116, %get3A_4, %dot_general3A_117 {dimension_numbers = #tpu.dot_dimension_numbers<[1], [0], [0], [1], [0, 0, 1, 1], [], []>, transpose_lhs_hint = false} : vector<512x96xf32>, vector<96x1536xf32>, vector<512x1536xf32> -> vector<512x1536xf32>
    %mul3A_119 = arith.mulf %dot_general3A_110, %dot_general3A_118 : vector<512x1536xf32>
    %add3A_120 = arith.addf %add3A_103, %mul3A_119 : vector<512x1536xf32>
    %get3A_121 = arith.constant 7 : index
    %get3A_122 = arith.constant 0 : index
    %get3A_123 = arith.constant 0 : index
    %get3A_124 = vector.load %arg2[%get3A_121, %get3A_122, %get3A_123] : memref<8x512x16xf32, #tpu.memory_space<vmem>>, vector<1x512x16xf32>
    %get3A_125 = vector.shape_cast %get3A_124 : vector<1x512x16xf32> to vector<512x16xf32>
    %dot_general3A_126 = arith.constant dense<0.000000e+00> : vector<512x1536xf32>
    %dot_general3A_127 = tpu.matmul %get3A_125, %get3A_1, %dot_general3A_126 {dimension_numbers = #tpu.dot_dimension_numbers<[1], [0], [0], [1], [0, 0, 1, 1], [], []>, transpose_lhs_hint = false} : vector<512x16xf32>, vector<16x1536xf32>, vector<512x1536xf32> -> vector<512x1536xf32>
    %get3A_128 = arith.constant 7 : index
    %get3A_129 = arith.constant 0 : index
    %get3A_130 = arith.constant 0 : index
    %get3A_131 = vector.load %arg1[%get3A_128, %get3A_129, %get3A_130] : memref<8x512x128xf32, #tpu.memory_space<vmem>>, vector<1x512x128xf32>
    %get3A_132 = vector.shape_cast %get3A_131 : vector<1x512x128xf32> to vector<512x128xf32>
    %slice3A_133 = vector.extract_strided_slice %get3A_132 {offsets = [0, 0], sizes = [512, 96], strides = [1, 1]} : vector<512x128xf32> to vector<512x96xf32>
    %dot_general3A_134 = arith.constant dense<0.000000e+00> : vector<512x1536xf32>
    %dot_general3A_135 = tpu.matmul %slice3A_133, %get3A_4, %dot_general3A_134 {dimension_numbers = #tpu.dot_dimension_numbers<[1], [0], [0], [1], [0, 0, 1, 1], [], []>, transpose_lhs_hint = false} : vector<512x96xf32>, vector<96x1536xf32>, vector<512x1536xf32> -> vector<512x1536xf32>
    %mul3A_136 = arith.mulf %dot_general3A_127, %dot_general3A_135 : vector<512x1536xf32>
    %add3A_137 = arith.addf %add3A_120, %mul3A_136 : vector<512x1536xf32>
    %get3A_138 = arith.constant 0 : index
    %get3A_139 = arith.constant 0 : index
    %get3A_140 = vector.load %arg5[%get3A_138, %get3A_139] : memref<1536x768xf32, #tpu.memory_space<vmem>>, vector<1536x768xf32>
    %dot_general3A_141 = arith.constant dense<0.000000e+00> : vector<512x768xf32>
    %dot_general3A_142 = tpu.matmul %add3A_137, %get3A_140, %dot_general3A_141 {dimension_numbers = #tpu.dot_dimension_numbers<[1], [0], [0], [1], [0, 0, 1, 1], [], []>, transpose_lhs_hint = false} : vector<512x1536xf32>, vector<1536x768xf32>, vector<512x768xf32> -> vector<512x768xf32>
    %swap3A = arith.constant 0 : index
    %swap3A_143 = arith.constant 0 : index
    %swap3A_144 = vector.load %arg6[%swap3A, %swap3A_143] : memref<512x768xf32, #tpu.memory_space<vmem>>, vector<512x768xf32>
    tpu.vector_store %arg6[%swap3A, %swap3A_143], %dot_general3A_142 {strides = array<i32>} : memref<512x768xf32, #tpu.memory_space<vmem>>, vector<512x768xf32>,
    return
  }
  func.func @transform_0(%arg0: i32) -> (i32, i32, i32) {
    %c0_i32 = arith.constant 0 : i32
    %c0_i32_0 = arith.constant 0 : i32
    %c0_i32_1 = arith.constant 0 : i32
    return %c0_i32, %arg0, %c0_i32_0 : i32, i32, i32
  }
  func.func @transform_1(%arg0: i32) -> (i32, i32, i32) {
    %c0_i32 = arith.constant 0 : i32
    %c0_i32_0 = arith.constant 0 : i32
    %c0_i32_1 = arith.constant 0 : i32
    return %c0_i32, %arg0, %c0_i32_0 : i32, i32, i32
  }
  func.func @transform_2(%arg0: i32) -> (i32, i32) {
    %c0_i32 = arith.constant 0 : i32
    %c0_i32_0 = arith.constant 0 : i32
    %c0_i32_1 = arith.constant 0 : i32
    return %c0_i32, %c0_i32_0 : i32, i32
  }
  func.func @transform_3(%arg0: i32) -> (i32, i32) {
    %c0_i32 = arith.constant 0 : i32
    %c0_i32_0 = arith.constant 0 : i32
    %c0_i32_1 = arith.constant 0 : i32
    return %c0_i32, %c0_i32_0 : i32, i32
  }
  func.func @transform_4(%arg0: i32) -> (i32, i32) {
    %c0_i32 = arith.constant 0 : i32
    %c0_i32_0 = arith.constant 0 : i32
    %c0_i32_1 = arith.constant 0 : i32
    return %c0_i32, %c0_i32_0 : i32, i32
  }
  func.func @transform_5(%arg0: i32) -> (i32, i32) {
    %c0_i32 = arith.constant 0 : i32
    %c0_i32_0 = arith.constant 0 : i32
    return %arg0, %c0_i32 : i32, i32
  }
}

</mosaic_0001>

<sc_bundles>
// kernel: kernel.6.cloned.1.call-start
scs
__scs_entry_jumppad:
0x0: {  	(pc) =	sbr.rel $0x88, $3  }
0x1: {  	(tag) =	ssettag $0x0;
	lr =	simm.s32 $0x1  }
0x2: {  	[smem:$0x3F9A] =	sst lr;
	_ =	strace $0xD0000000  }
0x3: {  	_ = 	snop  }
0x4: {  	_ = 	snop  }
0x5: {  	_ = 	snop  }
0x6: {  	_ = 	snop  }
0x7: {  	_ = 	snop  }
__scs_overlays_trampoline_lowered:
0x8: {  	[smem:$0x3FA9] =	sst s0  }
0x9: {  	[smem:$0x3FAA] =	sst s1  }
0xa: {  	[smem:$0x3FAB] =	sst s2  }
0xb: {  	[smem:$0x3FAC] =	sst s3  }
0xc: {  	[smem:$0x3FAD] =	sst s4  }
0xd: {  	[smem:$0x3FAE] =	sst s5  }
0xe: {  	[smem:$0x3FAF] =	sst s6  }
0xf: {  	[smem:$0x3FB0] =	sst s7  }
0x10: {  	[smem:$0x3FB1] =	sst s8  }
0x11: {  	[smem:$0x3FB2] =	sst s9;
	s0 =	simm.s32 @!p0 $0x0  }
0x12: {  	s1 =	sld [smem:$0x3F98];
	s0 =	simm.s32 @p0 $0x1  }
0x13: {  	[smem:$0x3FB3] =	sst s0;
	s0 =	simm.s32 @!p1 $0x0  }
0x14: {  	s2 =	sld [smem:$0x3F97];
	s0 =	simm.s32 @p1 $0x1  }
0x15: {  	[smem:$0x3FB4] =	sst s0;
	s0 =	simm.s32 @!p2 $0x0  }
0x16: {  	s3 =	sld [smem:$0x3FDB];
	s0 =	simm.s32 @p2 $0x1  }
0x17: {  	s4 =	simm.s32 $0x1BF5;
	[smem:$0x3FB6] =	sst s0  }
0x18: {  	s0 =	sld [smem:$0x3F99];
	_ =	swait.ge [sflag:s4], $0x0  }
0x19: {  	s7 =	sld [smem:$0x3F9A]  }
0x1a: {  	s8 =	sadd.s32 $0xFFFFE003, lr  }
0x1b: {  	s9 =	sadd.s32 $0xFFFFFEF7, lr;
	s5 =	simm.s32 $0xFFFFFFFF;
	p2 =	slt.u32 s8, $0xFFFFF086  }
0x1c: {  	p1 =	slt.u32 s9, $0xF7A;
	s5 =	simm.s32 @!p2 $0x0  }
0x1d: {  	s5 =	simm.s32 @p1 $0x1;
	p0 =	seq.s32 s7, s2  }
0x1e: {  	s7 =	smul.u32 @!p0 $0xF7A, s2;
	p2 =	seq.s32 @!p0 s5, $0x0  }
0x1f: {  	s9 =	smul.u32 $0xF7A, s1;
	s8 =	simm.s32 @!p0 $0x1BF5;
	p2 =	por !p2, p0  }
0x20: {  	[sflag:s8] =	ssyncset.s32 @!p0 $0xFFFFF086;
	s6 =	sadd.s32 @!p0 s3, s7;
	s7 =	simm.s32 @!p0 $0x108  }
0x21: {  	s3 =	sadd.s32 s3, s9;
	s6 =	sadd.s32 @!p0 $0x88, s6;
	s7 =	simm.s32 @p2 $0x1082  }
0x22: {  	[simem:s7], [sflag:s8] =	dma.local @!p0 [hbm:s6], $0xF7A  }
0x23: {  	s9 =	sor.u32 $0xD0000000, s2;
	s6 =	simm.s32 $0x108;
	_ =	swait.ge @!p0 [sflag:s8], $0x0  }
0x24: {  	s3 =	sadd.s32 $0x88, s3;
	s6 =	simm.s32 @!p1 $0x1082;
	[sflag:s4] =	ssyncset.s32 $0xFFFFF086  }
0x25: {  	[simem:s6], [sflag:s4] =	dma.local [hbm:s3], $0xF7A  }
0x26: {  	[smem:$0x3F9A] =	sst s1;
	(tag) =	ssettag s2;
	_ =	strace s9  }
0x27: {  	s1 =	sld [smem:$0x3FAA]  }
0x28: {  	s2 =	sld [smem:$0x3FAB]  }
0x29: {  	s4 =	sld [smem:$0x3FAD]  }
0x2a: {  	p0 =	seq.s32 s5, $0x0;
	s5 =	sld [smem:$0x3FAE]  }
0x2b: {  	s6 =	sld [smem:$0x3FAF]  }
0x2c: {  	s7 =	sld [smem:$0x3FB0]  }
0x2d: {  	s3 =	simm.s32 $0x108;
	s8 =	sld [smem:$0x3FB1]  }
0x2e: {  	s3 =	simm.s32 @!p0 $0x1082;
	s9 =	sld [smem:$0x3FB2]  }
0x2f: {  	lr =	sadd.s32 s0, s3;
	s0 =	sld [smem:$0x3FA9]  }
0x30: {  	s3 =	sld [smem:$0x3FAC]  }
0x31: {  	[smem:$0x3FB5] =	sst s10  }
0x32: {  	s10 =	sld [smem:$0x3FB3];
	_ =	sdelay $0x3  }
0x33: {  	p0 =	seq.s32 s10, $0x1;
	s10 =	sld [smem:$0x3FB5];
	_ =	sdelay $0x3  }
0x34: {  	[smem:$0x3FB5] =	sst s10  }
0x35: {  	s10 =	sld [smem:$0x3FB4];
	_ =	sdelay $0x3  }
0x36: {  	p1 =	seq.s32 s10, $0x1;
	s10 =	sld [smem:$0x3FB5];
	_ =	sdelay $0x3  }
0x37: {  	[smem:$0x3FB5] =	sst s10  }
0x38: {  	s10 =	sld [smem:$0x3FB6]  }
0x39: {  	_ = 	snop;
	(pc) =	sbr.ind lr, $3  }
0x3a: {  	_ = 	snop  }
0x3b: {  	_ = 	snop  }
0x3c: {  	p2 =	seq.s32 s10, $0x1;
	s10 =	sld [smem:$0x3FB5]  }
0x3d: {  	_ =	shalt  }
0x3e: {  	_ =	shalt  }
0x3f: {  	_ =	shalt  }
0x40: {  	_ =	shalt  }
0x41: {  	_ =	shalt  }
0x42: {  	_ =	shalt  }
0x43: {  	_ =	shalt  }
0x44: {  	_ =	shalt  }
0x45: {  	_ =	shalt  }
0x46: {  	_ =	shalt  }
0x47: {  	_ =	shalt  }
0x48: {  	_ =	shalt  }
0x49: {  	_ =	shalt  }
0x4a: {  	_ =	shalt  }
0x4b: {  	_ =	shalt  }
0x4c: {  	_ =	shalt  }
0x4d: {  	_ =	shalt  }
0x4e: {  	_ =	shalt  }
0x4f: {  	_ =	shalt  }
0x50: {  	_ =	shalt  }
0x51: {  	_ =	shalt  }
0x52: {  	_ =	shalt  }
0x53: {  	_ =	shalt  }
0x54: {  	_ =	shalt  }
0x55: {  	_ =	shalt  }
0x56: {  	_ =	shalt  }
0x57: {  	_ =	shalt  }
0x58: {  	_ =	shalt  }
0x59: {  	_ =	shalt  }
0x5a: {  	_ =	shalt  }
0x5b: {  	_ =	shalt  }
0x5c: {  	_ =	shalt  }
0x5d: {  	_ =	shalt  }
0x5e: {  	_ =	shalt  }
0x5f: {  	_ =	shalt  }
0x60: {  	_ =	shalt  }
0x61: {  	_ =	shalt  }
0x62: {  	_ =	shalt  }
0x63: {  	_ =	shalt  }
0x64: {  	_ =	shalt  }
0x65: {  	_ =	shalt  }
0x66: {  	_ =	shalt  }
0x67: {  	_ =	shalt  }
0x68: {  	_ =	shalt  }
0x69: {  	_ =	shalt  }
0x6a: {  	_ =	shalt  }
0x6b: {  	_ =	shalt  }
0x6c: {  	_ =	shalt  }
0x6d: {  	_ =	shalt  }
0x6e: {  	_ =	shalt  }
0x6f: {  	_ =	shalt  }
0x70: {  	_ =	shalt  }
0x71: {  	_ =	shalt  }
0x72: {  	_ =	shalt  }
0x73: {  	_ =	shalt  }
0x74: {  	_ =	shalt  }
0x75: {  	_ =	shalt  }
0x76: {  	_ =	shalt  }
0x77: {  	_ =	shalt  }
0x78: {  	_ =	shalt  }
0x79: {  	_ =	shalt  }
0x7a: {  	_ =	shalt  }
0x7b: {  	_ =	shalt  }
0x7c: {  	_ =	shalt  }
0x7d: {  	_ =	shalt  }
0x7e: {  	_ =	shalt  }
0x7f: {  	_ =	shalt  }
0x80: {  	_ =	shalt  }
0x81: {  	_ =	shalt  }
0x82: {  	_ =	shalt  }
0x83: {  	_ =	shalt  }
0x84: {  	_ =	shalt  }
0x85: {  	_ =	shalt  }
0x86: {  	_ =	shalt  }
0x87: {  	_ =	shalt  }
.Lfunc_end0:
.L_simem_size_0:
called_computation_lowered:
.L_overlay_start_0:
0x88: {  	s2 =	sld [smem:$0x3FD9]  }
0x89: {  	s3 =	sld [smem:$0x3FFE];
	_ =	sdelay $0x1  }
0x8a: {  	s1 =	srdreg.scid  }
0x8b: {  	s0 =	sand.u32 $0x1, s1  }
0x8c: {  	s14 =	sshll.u32 s0, $0xA;
	s2 =	sadd.s32 s3, s2  }
0x8d: {  	s2 =	sadd.s32 s2, s14  }
0x8e: {  	[smem:$0x3FC1] =	sst s2  }
0x8f: {  	_ = 	snop  }
0x90: {  	s2 =	sld [smem:$0x3FD0];
	_ =	sdelay $0x2  }
0x91: {  	s15 =	simm.s32 $0xA;
	s4 =	simm.s32 $0x10  }
0x92: {  	[smem:s4], [sflag:s15] =	dma.local [hbm:s2], $0x1  }
0x93: {  	_ =	swait.eq [sflag:s15], $0x1  }
0x94: {  	[sflag:s15] =	ssyncset.done $0x0  }
0x95: {  	[sflag:s15] =	ssyncadd.s32 $0xFFFFFFFF  }
0x96: {  	s16 =	sld [smem:$0x10];
	(tm) =	ssettm $0x1  }
0x97: {  	s17 =	sld [smem:$0x3FFB];
	_ =	sdelay $0x3  }
0x98: {  	_ =	strace s17  }
0x99: {  	s3 =	sld [smem:$0x3FFC];
	_ =	sdelay $0x3  }
0x9a: {  	_ =	strace s3  }
0x9b: {  	s3 =	sld [smem:$0x3FFD];
	_ =	sdelay $0x3  }
0x9c: {  	_ =	strace s3  }
0x9d: {  	_ =	strace $0x8FFFFFFF  }
0x9e: {  	s18 =	sld [smem:$0x3FDB];
	_ =	sdelay $0x1  }
0x9f: {  	s19 =	simm.s32 $_scs_section_size  }
0xa0: {  	s5 =	simm.s32 $_size__tile_overlayer_lowered;
	s6 =	simm.s32 $_tile_overlayer_lowered  }
0xa1: {  	s22 =	simm.s32 $0x1BFF;
	s21 =	sshll.u32 s6, $0x1;
	s3 =	sadd.s32 s19, s18  }
0xa2: {  	s7 =	simm.s32 $0x0;
	s20 =	sshll.u32 s5, $0x1;
	s5 =	sadd.s32 s21, s3  }
0xa3: {  	[timem:s7], [sflag:s22] =	dma.local [hbm:s5], s20  }
0xa4: {  	_ =	swait.ge [sflag:s22], s20  }
0xa5: {  	s4 =	ssub.s32 $0x0, s20;
	[sflag:s22] =	ssyncset.done $0x0  }
0xa6: {  	[sflag:s22] =	ssyncadd.s32 s4;
	_ =	sdelay $0x1  }
0xa7: {  	s23 =	simm.s32 $0x1B8B  }
0xa8: {  	_ =	swait.ge [sflag:s23], $0x1  }
0xa9: {  	[sflag:s23] =	ssyncset.done $0x0  }
0xaa: {  	s25 =	simm.s32 $0x1B8E;
	s24 =	sld [smem:$0x3FFE];
	[sflag:s23] =	ssyncadd.s32 $0xFFFFFFFF  }
0xab: {  	s26 =	simm.s32 $execute0_lowered;
	[smem:$0x3FD2] =	sst s25  }
0xac: {  	s5 =	sshll.u32 s26, $0x1;
	_ =	strace $0x80000046;
	[dreg:$0x1] =	wrdreg $0xFFFFFFFF  }
0xad: {  	s28 =	simm.s32 $_size_execute0_lowered;
	s3 =	sadd.s32 s3, s5;
	[dreg:$0x0] =	wrdreg $0x0  }
0xae: {  	s5 =	sshll.u32 s28, $0x1;
	[dreg:$0x2] =	wrdreg s3  }
0xaf: {  	[dreg:$0x3] =	wrdreg s5  }
0xb0: {  	[dreg:$0x4] =	wrdreg $0xC0  }
0xb1: {  	_ =	task [dreg:s7], $0x5FFFF  }
0xb2: {  	[dreg:$0x1] =	wrdreg $0xFFFFFFFF  }
0xb3: {  	[dreg:$0x0] =	wrdreg $0x60  }
0xb4: {  	[dreg:$0x2] =	wrdreg s24  }
0xb5: {  	[dreg:$0x3] =	wrdreg s16  }
0xb6: {  	[dreg:$0x4] =	wrdreg $0x9  }
0xb7: {  	_ =	task.clear_ibuf [dreg:s7], $0x5FFFF;
	_ =	strace $0x90000046  }
0xb8: {  	s29 =	simm.s32 $0x9;
	_ =	strace $0x80000048  }
0xb9: {  	_ =	swait.ge [sflag:s29], $0x1  }
0xba: {  	[sflag:s29] =	ssyncadd.s32 $0xFFFFFFFF  }
0xbb: {  	_ =	strace $0x90000048  }
0xbc: {  	_ =	sfence  }
0xbd: {  	s30 =	sld [smem:$0x0];
	_ =	sdelay $0x2  }
0xbe: {  	s31 =	sshll.u32 s1, $0xD;
	s1 =	sshrl.u32 s1, $0x2  }
0xbf: {  	s3 =	sand.u32 $0x4000, s31;
	s1 =	sadd.s32 s1, s30  }
0xc0: {  	s0 =	sor.u32 s3, s0;
	s1 =	sshll.u32 s1, $0x11  }
0xc1: {  	s0 =	sor.u32 s1, s0  }
0xc2: {  	s0 =	sadd.s32 $0x8F2B, s0  }
0xc3: {  	[sflag:s0] =	ssyncadd.remote.s32 $0x1  }
0xc4: {  	_ =	sfence.sel $0xFFFF  }
0xc5: {  	[dreg:$0x0] =	wrdreg $0xFFFFFFFF;
	(pc) =	sbr.abs _section_cstart, $3  }
0xc6: {  	[dreg:$0x1] =	wrdreg $0xFFFFFFFF  }
0xc7: {  	_ =	task.clear_ibuf [dreg:s7], $0x2FFFF;
	_ =	strace $0x9FFFFFFF  }
0xc8: {  	(tm) =	ssettm $0x7FFFFFFF  }
0xc9: {  	_ =	shalt  }
tec
execute0_lowered:
.L_overlay_start_1:
0x0: {  	(tag) =	ssettag $0x1  }
0x1: {  	s5 =	rddreg [dreg:$0x0]  }
0x2: {  	s6 =	rddreg [dreg:$0x1]  }
0x3: {  	s0 =	rddreg [dreg:$0x2];
	s1 =	simm.s32 $0x0  }
0x4: {  	s2 =	srdreg.scid;
	[smem:$0x7FF] =	sst s1  }
0x5: {  	s7 =	sand.u32 $0x1, s2;
	s3 =	sadd.s32 $0x300000, s5;
	s2 =	stileid.u32  }
0x6: {  	_ =	strace $0x80000047;
	s4 =	ssub.s32 $0x2, s7;
	s31 =	sshll.u32 s2, $0xC  }
0x7: {  	s9 =	sshll.u32 s7, $0xB;
	s10 =	sshll.u32 s2, $0x10;
	s7 =	sshll.u32 s7, $0xF  }
0x8: {  	s8 =	sshrl.u32 s4, $0x1;
	s5 =	sadd.s32 s10, s5;
	s10 =	simm.s32 $0x0  }
0x9: {  	s4 =	ssub.s32 s4, s8;
	s8 =	sor.u32 s9, s31;
	s5 =	sadd.s32 s7, s5  }
0xa: {  	s7 =	simm.s32 $0x2;
	s9 =	simm.s32 $0x1;
	s8 =	sshrl.u32 s8, $0x3  }
0xb: {  	s4 =	smax.u32 s4, $0x1;
	s6 =	sadd.s32 s8, s6;
	s8 =	simm.s32 $0x80  }
.LBB2_1:
0xc: {  	s11 =	sadd.s32 $0x0, s6  }
0xd: {  	[tilespmem:s1], [sflag:$0x2] =	stream.linear.gather [hbm4b:s11+s1], $0x80, $0x38;
	[tilespmem:$0x4080] =	vst v63  }
0xe: {  	_ =	swait.ge [sflag:s7], $0x80  }
0xf: {  	[sflag:s7] =	ssyncset.done $0x0  }
0x10: {  	[sflag:s7] =	ssyncadd.s32 $0xFFFFFF80  }
0x11: {  	[tilespmem:s8], [sflag:$0x1] =	stream.indirect.gather [hbm4b:s3+s8], $0x80, s1, s8, $0xb8;
	[tilespmem:$0x4080] =	vst v63  }
0x12: {  	_ =	swait.ge [sflag:s9], $0x4000  }
0x13: {  	[sflag:s9] =	ssyncset.done $0x0  }
0x14: {  	[sflag:s9] =	ssyncadd.s32 $0xFFFFC000  }
0x15: {  	[hbm4b:s5+s1] =	stream.linear.scatter [tilespmem:s8], [sflag:$0x2], $0x4000, $0x38;
	[tilespmem:$0x4080] =	vst v63  }
0x16: {  	s12 =	simm.s32 $0x10;
	_ =	swait.ge [sflag:s7], $0x4000  }
0x17: {  	s13 =	simm.s32 $0x20;
	s11 =	sadd.s32 $0x800, s5;
	[sflag:s7] =	ssyncset.done $0x0  }
.LBB2_2:
0x18: {  	s14 =	sadd.s32 s12, s6  }
0x19: {  	[sflag:s7] =	ssyncadd.s32 $0xFFFFC000;
	s12 =	smov.u32 s13;
	s15 =	sadd.s32 $0x10, s13  }
0x1a: {  	[tilespmem:s1], [sflag:$0x2] =	stream.linear.gather [hbm4b:s14+s1], $0x80, $0x38;
	[tilespmem:$0x4080] =	vst v63  }
0x1b: {  	p0 =	sne.s32 s13, $0xF0;
	_ =	swait.ge [sflag:s7], $0x80  }
0x1c: {  	[sflag:s7] =	ssyncset.done $0x0  }
0x1d: {  	[sflag:s7] =	ssyncadd.s32 $0xFFFFFF80  }
0x1e: {  	[tilespmem:s8], [sflag:$0x1] =	stream.indirect.gather [hbm4b:s3+s8], $0x80, s1, s8, $0xb8;
	[tilespmem:$0x4080] =	vst v63  }
0x1f: {  	_ =	swait.ge [sflag:s9], $0x4000  }
.Ltmp0:
0x20: {  	[sflag:s9] =	ssyncset.done $0x0;
	(pc) =	sbr.rel @p0 .LBB2_2-.Ltmp0, $4  }
0x21: {  	[sflag:s9] =	ssyncadd.s32 $0xFFFFC000  }
0x22: {  	[hbm4b:s11+s1] =	stream.linear.scatter [tilespmem:s8], [sflag:$0x2], $0x4000, $0x38;
	[tilespmem:$0x4080] =	vst v63  }
0x23: {  	_ =	swait.ge [sflag:s7], $0x4000  }
0x24: {  	s13 =	smov.u32 s15;
	s11 =	sadd.s32 $0x800, s11;
	[sflag:s7] =	ssyncset.done $0x0  }
0x25: {  	s12 =	sadd.s32 s12, s6;
	[sflag:s7] =	ssyncadd.s32 $0xFFFFC000  }
0x26: {  	[tilespmem:s1], [sflag:$0x2] =	stream.linear.gather [hbm4b:s12+s1], $0x80, $0x38;
	[tilespmem:$0x4080] =	vst v63  }
0x27: {  	_ =	swait.ge [sflag:s7], $0x80  }
0x28: {  	[sflag:s7] =	ssyncset.done $0x0  }
0x29: {  	[sflag:s7] =	ssyncadd.s32 $0xFFFFFF80  }
0x2a: {  	[tilespmem:s8], [sflag:$0x1] =	stream.indirect.gather [hbm4b:s3+s8], $0x80, s1, s8, $0xb8;
	[tilespmem:$0x4080] =	vst v63  }
0x2b: {  	s10 =	sadd.s32 $0x1, s10;
	_ =	swait.ge [sflag:s9], $0x4000  }
0x2c: {  	p0 =	sne.s32 s10, s4;
	[sflag:s9] =	ssyncset.done $0x0  }
.Ltmp1:
0x2d: {  	[sflag:s9] =	ssyncadd.s32 $0xFFFFC000;
	(pc) =	sbr.rel @p0 .LBB2_1-.Ltmp1, $4  }
0x2e: {  	[hbm4b:s11+s1] =	stream.linear.scatter [tilespmem:s8], [sflag:$0x2], $0x4000, $0x38;
	[tilespmem:$0x4080] =	vst v63  }
0x2f: {  	_ =	swait.ge [sflag:s7], $0x4000  }
0x30: {  	[sflag:s7] =	ssyncset.done $0x0  }
0x31: {  	[sflag:s7] =	ssyncadd.s32 $0xFFFFC000  }
0x32: {  	_ =	sfence.sel $0x180000  }
0x33: {  	[bflag:$0x0] =	sbarrier.arrive $0xFFFF  }
0x34: {  	p0 =	sne.s32 s2, $0x0;
	_ =	strace $0x90000047  }
0x35: {  	s0 =	sadd.s32 @!p0 $0x100000, s0;
	[bflag:$0x2] =	sbarrier.arrive $0xFFFF  }
0x36: {  	[sflag:s0] =	ssyncadd.tile.s32 @!p0 $0x1;
	_ =	shalt  }
.Lfunc_end2:
_tile_overlayer_lowered:
.L_overlay_start_2:
0x37: {  	(tag) =	ssettag $0x2  }
0x38: {  	s0 =	rddreg [dreg:$0x0];
	s2 =	stileid.u32  }
0x39: {  	s1 =	rddreg [dreg:$0x1];
	p0 =	sne.s32 s2, $0x0  }
0x3a: {  	s3 =	rddreg [dreg:$0x2];
	[bflag:$0x3] =	sbarrier.arrive $0xFFFF;
	s2 =	simm.s32 @!p0 $0x1C02  }
0x3b: {  	[timem:s3], [sflag:s2] =	dma.local @!p0 [hbm:s0], s1  }
0x3c: {  	s0 =	simm.s32 @!p0 $0x2  }
0x3d: {  	_ =	swait.ge @!p0 [sflag:s0], s1  }
0x3e: {  	s1 =	ssub.s32 @!p0 $0x0, s1;
	[sflag:s0] =	ssyncset.done @!p0 $0x0  }
0x3f: {  	[sflag:s0] =	ssyncadd.s32 @!p0 s1  }
0x40: {  	[bflag:$0x3] =	sbarrier.arrive $0xFFFF  }
0x41: {  	_ =	shalt  }

</sc_bundles>
